<compile_context>
chip_gen: v7x
topology: tpu7x:2x2x1
jax: 0.10.2.dev20260603
libtpu: 0.0.44.dev20260713+nightly
codegen_flags: <defaults>
</compile_context>

<pallas_src>
import functools

import jax
import jax.numpy as jnp
from jax import lax
from jax.experimental import pallas as pl
from jax.experimental.pallas import tpu as pltpu
from jax.experimental.pallas import tpu_sc as plsc

P = 0.2
B, C, D = 4, 4096, 2048
DROP_NUM = int(round(P * C))
SCALE = 1.0 / (1.0 - P)
CBLK = 1024
NV = C // 16
UNROLL = 16
NB = NV // UNROLL


def _lane_sum(acc):
    total = jnp.int32(0)
    for j in range(16):
        total = total + acc[j]
    return total


def _count_le(bits_v, mid):
    def body(i, acc):
        base = i * (16 * UNROLL)
        for u in range(UNROLL):
            v = bits_v[pl.ds(base + u * 16, 16)]
            acc = acc + jnp.where(v <= mid, 1, 0).astype(jnp.int32)
        return acc
    return _lane_sum(lax.fori_loop(0, NB, body, jnp.zeros((16,), jnp.int32)))


def _sc_select_body(bits_hbm, scale_hbm, bits_v, out_v):
    wid = lax.axis_index("s") * 2 + lax.axis_index("c")

    @pl.when(wid < B)
    def _():
        pltpu.sync_copy(bits_hbm.at[wid], bits_v)

        def sbody(_, carry):
            lo, hi, cnt_hi = carry
            mid = lo + (hi - lo) // 2
            cnt = _count_le(bits_v, mid)
            ge = cnt >= DROP_NUM
            return (jnp.where(ge, lo, mid + 1), jnp.where(ge, mid, hi),
                    jnp.where(ge, cnt, cnt_hi))
        lo, hi, n_at = lax.fori_loop(
            0, 30, sbody,
            (jnp.int32(0), jnp.int32(0x3F800000), jnp.int32(C)))
        tbits = lo

        def tie_path():
            n_less = _count_le(bits_v, tbits - 1)
            need = DROP_NUM - n_less

            def ibody(_, carry):
                ilo, ihi = carry
                mid = ilo + (ihi - ilo + 1) // 2

                def cbody(i, acc):
                    base = i * (16 * UNROLL)
                    for u in range(UNROLL):
                        v = bits_v[pl.ds(base + u * 16, 16)]
                        idx = lax.iota(jnp.int32, 16) + (base + u * 16)
                        hit = (v == tbits) & (idx <= mid)
                        acc = acc + jnp.where(hit, 1, 0).astype(jnp.int32)
                    return acc
                cnt = _lane_sum(lax.fori_loop(0, NB, cbody,
                                              jnp.zeros((16,), jnp.int32)))
                ge = cnt >= need
                return (jnp.where(ge, ilo, mid), jnp.where(ge, mid, ihi))
            _, ihi = lax.fori_loop(0, 13, ibody,
                                   (jnp.int32(-1), jnp.int32(C - 1)))
            return ihi

        itop = lax.cond(n_at == DROP_NUM, lambda: jnp.int32(C - 1), tie_path)

        def mbody(i, _):
            base = i * (16 * UNROLL)
            for u in range(UNROLL):
                v = bits_v[pl.ds(base + u * 16, 16)]
                idx = lax.iota(jnp.int32, 16) + (base + u * 16)
                drop = (v < tbits) | ((v == tbits) & (idx <= itop))
                out_v[pl.ds(base + u * 16, 16)] = jnp.where(
                    drop, 0.0, SCALE).astype(jnp.float32)
            return 0
        lax.fori_loop(0, NB, mbody, 0)

        pltpu.sync_copy(out_v, scale_hbm.at[wid, 0])


@functools.cache
def _sc_select():
    mesh = plsc.VectorSubcoreMesh(core_axis_name="c", subcore_axis_name="s")
    return pl.kernel(
        _sc_select_body,
        out_type=jax.ShapeDtypeStruct((B, 1, C), jnp.float32),
        mesh=mesh,
        scratch_types=[
            pltpu.VMEM((C,), jnp.int32),
            pltpu.VMEM((C,), jnp.float32),
        ],
    )


def _mul_kernel(x_ref, scale_ref, o_ref):
    c = pl.program_id(1)
    s = scale_ref[0, 0, pl.ds(c * CBLK, CBLK)]
    o_ref[0] = x_ref[0] * s[:, None]


@jax.jit
def kernel(inputs):
    rand = jax.random.uniform(jax.random.key(42), (B, C), dtype=jnp.float32)
    bits = jax.lax.bitcast_convert_type(rand, jnp.int32)
    scale = _sc_select()(bits)
    out = pl.pallas_call(
        _mul_kernel,
        grid=(B, C // CBLK),
        in_specs=[
            pl.BlockSpec((1, CBLK, D), lambda b, c: (b, c, 0)),
            pl.BlockSpec((1, 1, C), lambda b, c: (b, 0, 0)),
        ],
        out_specs=pl.BlockSpec((1, CBLK, D), lambda b, c: (b, c, 0)),
        out_shape=jax.ShapeDtypeStruct((B, C, D), jnp.float32),
    )(inputs, scale)
    return out

# --- scband reference (transcript-rebuilt; emitter-appended) ---
"""Pipeline reference for scband-fixed-rate-channel-dropout-1683627180611 (READ-ONLY COPY).

The authoritative reference and input builder live on the scoring server;
editing this copy changes nothing except your own understanding.
"""

import jax, jax.numpy as jnp
import numpy as np

P = 0.2
AT_LEAST_ONE = False
AT_LEAST_LEFT_ONE = False


def setup_inputs(seed: int = 0) -> dict:
    key = jax.random.key(seed)
    inputs = jax.random.normal(key, (4, 4096, 2048), dtype=jnp.float32)
    return {"inputs": inputs}


def reference(inputs):
    # FixedRateChannelDropout.forward in training mode.
    B, C, D = inputs.shape
    drop_num = int(round(P * C))
    if AT_LEAST_ONE:
        drop_num = max(drop_num, 1)
    if AT_LEAST_LEFT_ONE:
        drop_num = min(drop_num, C - 1)
    # torch.rand(*inputs.shape[:2]) -> argsort along dim=1 gives a random
    # permutation of channel indices per batch element.
    rkey = jax.random.key(42)
    rand = jax.random.uniform(rkey, (B, C), dtype=jnp.float32)
    indices = jnp.argsort(rand, axis=1)  # [B, C]
    drop_idx = indices[:, :drop_num]     # [B, drop_num]
    batch_idx = jnp.arange(B)[:, None]   # [B, 1]
    # scatter-overwrite: zero out the selected channels per batch element
    out = inputs.at[batch_idx, drop_idx].set(0.0)
    out = out * (1.0 / (1.0 - P))
    return out

if __name__ == "__main__":
    import jax
    _d = setup_inputs()
    print(jax.jit(kernel)(*tuple(_d.values())))

</pallas_src>

<mosaic_0001>
#map = affine_map<(d0, d1) -> (0, 0)>
#map1 = affine_map<(d0, d1) -> (0, 0, 0)>
module attributes {stable_mosaic.version = 14 : i64} {
  func.func @_sc_select_body(%arg0: i32, %arg1: i32, %arg2: memref<4x4096xi32, #tpu.memory_space<hbm>>, %arg3: memref<4x1x4096xf32, #tpu.memory_space<hbm>>, %arg4: memref<4096xi32, #tpu.memory_space<vmem>>, %arg5: memref<4096xf32, #tpu.memory_space<vmem>>) attributes {dimension_semantics = [#tpu.dimension_semantics<core_parallel>, #tpu.dimension_semantics<subcore_parallel>], iteration_bounds = array<i64: 2, 16>, scalar_prefetch = 0 : i64, scratch_operands = 2 : i64, tpu.core_type = #tpu.core_type<sc_vector_subcore>, window_params = [{transform_indices = #map}, {transform_indices = #map1}]} {
    %mul3A = arith.constant 2 : i32
    %mul3A_0 = arith.muli %arg1, %mul3A : i32
    %add3A = arith.addi %mul3A_0, %arg0 : i32
    %lt3A = arith.constant 4 : i32
    %lt3A_1 = arith.cmpi slt, %add3A, %lt3A : i32
    %convert_element_type3A = arith.extui %lt3A_1 : i1 to i32
    %cond3A = arith.constant 0 : i32
    %cond3A_2 = arith.cmpi ne, %convert_element_type3A, %cond3A : i32
    scf.if %cond3A_2 {
      "tpu.region"() ({
        %run_scoped3A_23 = tpu.sem_alloc : memref<!tpu.dma_semaphore, #tpu.memory_space<semaphore_mem>>
        %dma_start3A = arith.constant 0 : i32
        %dma_start3A_24 = tpu.memref_slice %arg2[%add3A, %dma_start3A] : memref<4x4096xi32, #tpu.memory_space<hbm>> -> memref<1x4096xi32, #tpu.memory_space<hbm>>
        %dma_start3A_25 = tpu.memref_squeeze %dma_start3A_24 : memref<1x4096xi32, #tpu.memory_space<hbm>> -> memref<4096xi32, #tpu.memory_space<hbm>>
        %dma_start3A_26 = arith.constant 0 : i32
        %dma_start3A_27 = tpu.memref_slice %arg2[%add3A, %dma_start3A_26] : memref<4x4096xi32, #tpu.memory_space<hbm>> -> memref<1x4096xi32, #tpu.memory_space<hbm>>
        %dma_start3A_28 = tpu.memref_squeeze %dma_start3A_27 : memref<1x4096xi32, #tpu.memory_space<hbm>> -> memref<4096xi32, #tpu.memory_space<hbm>>
        tpu.enqueue_dma source(%dma_start3A_28 : memref<4096xi32, #tpu.memory_space<hbm>>) target(%arg4 : memref<4096xi32, #tpu.memory_space<vmem>>) target_semaphore(%run_scoped3A_23 : memref<!tpu.dma_semaphore, #tpu.memory_space<semaphore_mem>>)
        %dma_wait3A = arith.constant 0 : i32
        %dma_wait3A_29 = tpu.memref_slice %arg2[%add3A, %dma_wait3A] : memref<4x4096xi32, #tpu.memory_space<hbm>> -> memref<1x4096xi32, #tpu.memory_space<hbm>>
        %dma_wait3A_30 = tpu.memref_squeeze %dma_wait3A_29 : memref<1x4096xi32, #tpu.memory_space<hbm>> -> memref<4096xi32, #tpu.memory_space<hbm>>
        %dma_wait3A_31 = arith.constant 0 : i32
        %dma_wait3A_32 = tpu.memref_slice %arg2[%add3A, %dma_wait3A_31] : memref<4x4096xi32, #tpu.memory_space<hbm>> -> memref<1x4096xi32, #tpu.memory_space<hbm>>
        %dma_wait3A_33 = tpu.memref_squeeze %dma_wait3A_32 : memref<1x4096xi32, #tpu.memory_space<hbm>> -> memref<4096xi32, #tpu.memory_space<hbm>>
        tpu.wait_dma2 semaphore(%run_scoped3A_23 : memref<!tpu.dma_semaphore, #tpu.memory_space<semaphore_mem>>) src(%dma_wait3A_33 : memref<4096xi32, #tpu.memory_space<hbm>>) dst(%arg4 : memref<4096xi32, #tpu.memory_space<vmem>>)
        tpu.yield
      }) : () -> ()
      %scan3A = arith.constant 0 : i32
      %scan3A_3 = arith.constant 1065353216 : i32
      %scan3A_4 = arith.constant 4096 : i32
      %scan3A_5 = arith.constant 0 : i32
      %scan3A_6 = arith.constant 30 : i32
      %scan3A_7 = arith.addi %scan3A_5, %scan3A_6 : i32
      %scan3A_8 = arith.constant 1 : i32
      %scan3A_9:3 = scf.for %scan3A_23 = %scan3A_5 to %scan3A_7 step %scan3A_8 iter_args(%scan3A_24 = %scan3A, %scan3A_25 = %scan3A_3, %scan3A_26 = %scan3A_4) -> (i32, i32, i32)  : i32 {
        %sub3A = arith.subi %scan3A_25, %scan3A_24 : i32
        %jit3A = arith.constant 2 : i32
        %div3A = arith.divsi %sub3A, %jit3A : i32
        %sign3A = arith.constant 0 : i32
        %sign3A_27 = arith.cmpi sgt, %sub3A, %sign3A : i32
        %sign3A_28 = arith.extui %sign3A_27 : i1 to i32
        %sign3A_29 = arith.constant 0 : i32
        %sign3A_30 = arith.cmpi slt, %sub3A, %sign3A_29 : i32
        %sign3A_31 = arith.extui %sign3A_30 : i1 to i32
        %sign3A_32 = arith.subi %sign3A_28, %sign3A_31 : i32
        %sign3A_33 = arith.constant 0 : i32
        %sign3A_34 = arith.cmpi sgt, %jit3A, %sign3A_33 : i32
        %sign3A_35 = arith.extui %sign3A_34 : i1 to i32
        %sign3A_36 = arith.constant 0 : i32
        %sign3A_37 = arith.cmpi slt, %jit3A, %sign3A_36 : i32
        %sign3A_38 = arith.extui %sign3A_37 : i1 to i32
        %sign3A_39 = arith.subi %sign3A_35, %sign3A_38 : i32
        %ne3A = arith.cmpi ne, %sign3A_32, %sign3A_39 : i32
        %rem3A = arith.remsi %sub3A, %jit3A : i32
        %ne3A_40 = arith.constant 0 : i32
        %ne3A_41 = arith.cmpi ne, %rem3A, %ne3A_40 : i32
        %and3A = arith.andi %ne3A, %ne3A_41 : i1
        %sub3A_42 = arith.constant 1 : i32
        %sub3A_43 = arith.subi %div3A, %sub3A_42 : i32
        %select_n3A = arith.select %and3A, %sub3A_43, %div3A : i32
        %add3A_44 = arith.addi %scan3A_24, %select_n3A : i32
        %broadcast_in_dim3A = arith.constant 0 : i32
        %broadcast_in_dim3A_45 = vector.broadcast %broadcast_in_dim3A : i32 to vector<16xi32>
        %scan3A_46 = arith.constant 0 : i32
        %scan3A_47 = arith.constant 16 : i32
        %scan3A_48 = arith.addi %scan3A_46, %scan3A_47 : i32
        %scan3A_49 = arith.constant 1 : i32
        %scan3A_50 = scf.for %scan3A_105 = %scan3A_46 to %scan3A_48 step %scan3A_49 iter_args(%scan3A_106 = %broadcast_in_dim3A_45) -> (vector<16xi32>)  : i32 {
          %mul3A_107 = arith.constant 256 : i32
          %mul3A_108 = arith.muli %scan3A_105, %mul3A_107 : i32
          %add3A_109 = arith.constant 0 : i32
          %add3A_110 = arith.addi %mul3A_108, %add3A_109 : i32
          %get3A = arith.index_cast %add3A_110 : i32 to index
          %get3A_111 = tpu.vector_load %arg4[%get3A] {strides = array<i32>} : memref<4096xi32, #tpu.memory_space<vmem>>, vector<16xi32>,
          %get3A_112 = vector.shape_cast %get3A_111 : vector<16xi32> to vector<16xi32>
          %le3A = vector.broadcast %add3A_44 : i32 to vector<16xi32>
          %le3A_113 = arith.cmpi sle, %get3A_112, %le3A : vector<16xi32>
          %jit3A_114 = arith.constant 1 : i32
          %jit3A_115 = arith.constant 0 : i32
          %broadcast_in_dim3A_116 = vector.broadcast %jit3A_114 : i32 to vector<16xi32>
          %broadcast_in_dim3A_117 = vector.broadcast %jit3A_115 : i32 to vector<16xi32>
          %select_n3A_118 = arith.select %le3A_113, %broadcast_in_dim3A_116, %broadcast_in_dim3A_117 : vector<16xi1>, vector<16xi32>
          %add3A_119 = arith.addi %scan3A_106, %select_n3A_118 : vector<16xi32>
          %add3A_120 = arith.constant 16 : i32
          %add3A_121 = arith.addi %mul3A_108, %add3A_120 : i32
          %get3A_122 = arith.index_cast %add3A_121 : i32 to index
          %get3A_123 = tpu.vector_load %arg4[%get3A_122] {strides = array<i32>} : memref<4096xi32, #tpu.memory_space<vmem>>, vector<16xi32>,
          %get3A_124 = vector.shape_cast %get3A_123 : vector<16xi32> to vector<16xi32>
          %le3A_125 = vector.broadcast %add3A_44 : i32 to vector<16xi32>
          %le3A_126 = arith.cmpi sle, %get3A_124, %le3A_125 : vector<16xi32>
          %jit3A_127 = arith.constant 1 : i32
          %jit3A_128 = arith.constant 0 : i32
          %broadcast_in_dim3A_129 = vector.broadcast %jit3A_127 : i32 to vector<16xi32>
          %broadcast_in_dim3A_130 = vector.broadcast %jit3A_128 : i32 to vector<16xi32>
          %select_n3A_131 = arith.select %le3A_126, %broadcast_in_dim3A_129, %broadcast_in_dim3A_130 : vector<16xi1>, vector<16xi32>
          %add3A_132 = arith.addi %add3A_119, %select_n3A_131 : vector<16xi32>
          %add3A_133 = arith.constant 32 : i32
          %add3A_134 = arith.addi %mul3A_108, %add3A_133 : i32
          %get3A_135 = arith.index_cast %add3A_134 : i32 to index
          %get3A_136 = tpu.vector_load %arg4[%get3A_135] {strides = array<i32>} : memref<4096xi32, #tpu.memory_space<vmem>>, vector<16xi32>,
          %get3A_137 = vector.shape_cast %get3A_136 : vector<16xi32> to vector<16xi32>
          %le3A_138 = vector.broadcast %add3A_44 : i32 to vector<16xi32>
          %le3A_139 = arith.cmpi sle, %get3A_137, %le3A_138 : vector<16xi32>
          %jit3A_140 = arith.constant 1 : i32
          %jit3A_141 = arith.constant 0 : i32
          %broadcast_in_dim3A_142 = vector.broadcast %jit3A_140 : i32 to vector<16xi32>
          %broadcast_in_dim3A_143 = vector.broadcast %jit3A_141 : i32 to vector<16xi32>
          %select_n3A_144 = arith.select %le3A_139, %broadcast_in_dim3A_142, %broadcast_in_dim3A_143 : vector<16xi1>, vector<16xi32>
          %add3A_145 = arith.addi %add3A_132, %select_n3A_144 : vector<16xi32>
          %add3A_146 = arith.constant 48 : i32
          %add3A_147 = arith.addi %mul3A_108, %add3A_146 : i32
          %get3A_148 = arith.index_cast %add3A_147 : i32 to index
          %get3A_149 = tpu.vector_load %arg4[%get3A_148] {strides = array<i32>} : memref<4096xi32, #tpu.memory_space<vmem>>, vector<16xi32>,
          %get3A_150 = vector.shape_cast %get3A_149 : vector<16xi32> to vector<16xi32>
          %le3A_151 = vector.broadcast %add3A_44 : i32 to vector<16xi32>
          %le3A_152 = arith.cmpi sle, %get3A_150, %le3A_151 : vector<16xi32>
          %jit3A_153 = arith.constant 1 : i32
          %jit3A_154 = arith.constant 0 : i32
          %broadcast_in_dim3A_155 = vector.broadcast %jit3A_153 : i32 to vector<16xi32>
          %broadcast_in_dim3A_156 = vector.broadcast %jit3A_154 : i32 to vector<16xi32>
          %select_n3A_157 = arith.select %le3A_152, %broadcast_in_dim3A_155, %broadcast_in_dim3A_156 : vector<16xi1>, vector<16xi32>
          %add3A_158 = arith.addi %add3A_145, %select_n3A_157 : vector<16xi32>
          %add3A_159 = arith.constant 64 : i32
          %add3A_160 = arith.addi %mul3A_108, %add3A_159 : i32
          %get3A_161 = arith.index_cast %add3A_160 : i32 to index
          %get3A_162 = tpu.vector_load %arg4[%get3A_161] {strides = array<i32>} : memref<4096xi32, #tpu.memory_space<vmem>>, vector<16xi32>,
          %get3A_163 = vector.shape_cast %get3A_162 : vector<16xi32> to vector<16xi32>
          %le3A_164 = vector.broadcast %add3A_44 : i32 to vector<16xi32>
          %le3A_165 = arith.cmpi sle, %get3A_163, %le3A_164 : vector<16xi32>
          %jit3A_166 = arith.constant 1 : i32
          %jit3A_167 = arith.constant 0 : i32
          %broadcast_in_dim3A_168 = vector.broadcast %jit3A_166 : i32 to vector<16xi32>
          %broadcast_in_dim3A_169 = vector.broadcast %jit3A_167 : i32 to vector<16xi32>
          %select_n3A_170 = arith.select %le3A_165, %broadcast_in_dim3A_168, %broadcast_in_dim3A_169 : vector<16xi1>, vector<16xi32>
          %add3A_171 = arith.addi %add3A_158, %select_n3A_170 : vector<16xi32>
          %add3A_172 = arith.constant 80 : i32
          %add3A_173 = arith.addi %mul3A_108, %add3A_172 : i32
          %get3A_174 = arith.index_cast %add3A_173 : i32 to index
          %get3A_175 = tpu.vector_load %arg4[%get3A_174] {strides = array<i32>} : memref<4096xi32, #tpu.memory_space<vmem>>, vector<16xi32>,
          %get3A_176 = vector.shape_cast %get3A_175 : vector<16xi32> to vector<16xi32>
          %le3A_177 = vector.broadcast %add3A_44 : i32 to vector<16xi32>
          %le3A_178 = arith.cmpi sle, %get3A_176, %le3A_177 : vector<16xi32>
          %jit3A_179 = arith.constant 1 : i32
          %jit3A_180 = arith.constant 0 : i32
          %broadcast_in_dim3A_181 = vector.broadcast %jit3A_179 : i32 to vector<16xi32>
          %broadcast_in_dim3A_182 = vector.broadcast %jit3A_180 : i32 to vector<16xi32>
          %select_n3A_183 = arith.select %le3A_178, %broadcast_in_dim3A_181, %broadcast_in_dim3A_182 : vector<16xi1>, vector<16xi32>
          %add3A_184 = arith.addi %add3A_171, %select_n3A_183 : vector<16xi32>
          %add3A_185 = arith.constant 96 : i32
          %add3A_186 = arith.addi %mul3A_108, %add3A_185 : i32
          %get3A_187 = arith.index_cast %add3A_186 : i32 to index
          %get3A_188 = tpu.vector_load %arg4[%get3A_187] {strides = array<i32>} : memref<4096xi32, #tpu.memory_space<vmem>>, vector<16xi32>,
          %get3A_189 = vector.shape_cast %get3A_188 : vector<16xi32> to vector<16xi32>
          %le3A_190 = vector.broadcast %add3A_44 : i32 to vector<16xi32>
          %le3A_191 = arith.cmpi sle, %get3A_189, %le3A_190 : vector<16xi32>
          %jit3A_192 = arith.constant 1 : i32
          %jit3A_193 = arith.constant 0 : i32
          %broadcast_in_dim3A_194 = vector.broadcast %jit3A_192 : i32 to vector<16xi32>
          %broadcast_in_dim3A_195 = vector.broadcast %jit3A_193 : i32 to vector<16xi32>
          %select_n3A_196 = arith.select %le3A_191, %broadcast_in_dim3A_194, %broadcast_in_dim3A_195 : vector<16xi1>, vector<16xi32>
          %add3A_197 = arith.addi %add3A_184, %select_n3A_196 : vector<16xi32>
          %add3A_198 = arith.constant 112 : i32
          %add3A_199 = arith.addi %mul3A_108, %add3A_198 : i32
          %get3A_200 = arith.index_cast %add3A_199 : i32 to index
          %get3A_201 = tpu.vector_load %arg4[%get3A_200] {strides = array<i32>} : memref<4096xi32, #tpu.memory_space<vmem>>, vector<16xi32>,
          %get3A_202 = vector.shape_cast %get3A_201 : vector<16xi32> to vector<16xi32>
          %le3A_203 = vector.broadcast %add3A_44 : i32 to vector<16xi32>
          %le3A_204 = arith.cmpi sle, %get3A_202, %le3A_203 : vector<16xi32>
          %jit3A_205 = arith.constant 1 : i32
          %jit3A_206 = arith.constant 0 : i32
          %broadcast_in_dim3A_207 = vector.broadcast %jit3A_205 : i32 to vector<16xi32>
          %broadcast_in_dim3A_208 = vector.broadcast %jit3A_206 : i32 to vector<16xi32>
          %select_n3A_209 = arith.select %le3A_204, %broadcast_in_dim3A_207, %broadcast_in_dim3A_208 : vector<16xi1>, vector<16xi32>
          %add3A_210 = arith.addi %add3A_197, %select_n3A_209 : vector<16xi32>
          %add3A_211 = arith.constant 128 : i32
          %add3A_212 = arith.addi %mul3A_108, %add3A_211 : i32
          %get3A_213 = arith.index_cast %add3A_212 : i32 to index
          %get3A_214 = tpu.vector_load %arg4[%get3A_213] {strides = array<i32>} : memref<4096xi32, #tpu.memory_space<vmem>>, vector<16xi32>,
          %get3A_215 = vector.shape_cast %get3A_214 : vector<16xi32> to vector<16xi32>
          %le3A_216 = vector.broadcast %add3A_44 : i32 to vector<16xi32>
          %le3A_217 = arith.cmpi sle, %get3A_215, %le3A_216 : vector<16xi32>
          %jit3A_218 = arith.constant 1 : i32
          %jit3A_219 = arith.constant 0 : i32
          %broadcast_in_dim3A_220 = vector.broadcast %jit3A_218 : i32 to vector<16xi32>
          %broadcast_in_dim3A_221 = vector.broadcast %jit3A_219 : i32 to vector<16xi32>
          %select_n3A_222 = arith.select %le3A_217, %broadcast_in_dim3A_220, %broadcast_in_dim3A_221 : vector<16xi1>, vector<16xi32>
          %add3A_223 = arith.addi %add3A_210, %select_n3A_222 : vector<16xi32>
          %add3A_224 = arith.constant 144 : i32
          %add3A_225 = arith.addi %mul3A_108, %add3A_224 : i32
          %get3A_226 = arith.index_cast %add3A_225 : i32 to index
          %get3A_227 = tpu.vector_load %arg4[%get3A_226] {strides = array<i32>} : memref<4096xi32, #tpu.memory_space<vmem>>, vector<16xi32>,
          %get3A_228 = vector.shape_cast %get3A_227 : vector<16xi32> to vector<16xi32>
          %le3A_229 = vector.broadcast %add3A_44 : i32 to vector<16xi32>
          %le3A_230 = arith.cmpi sle, %get3A_228, %le3A_229 : vector<16xi32>
          %jit3A_231 = arith.constant 1 : i32
          %jit3A_232 = arith.constant 0 : i32
          %broadcast_in_dim3A_233 = vector.broadcast %jit3A_231 : i32 to vector<16xi32>
          %broadcast_in_dim3A_234 = vector.broadcast %jit3A_232 : i32 to vector<16xi32>
          %select_n3A_235 = arith.select %le3A_230, %broadcast_in_dim3A_233, %broadcast_in_dim3A_234 : vector<16xi1>, vector<16xi32>
          %add3A_236 = arith.addi %add3A_223, %select_n3A_235 : vector<16xi32>
          %add3A_237 = arith.constant 160 : i32
          %add3A_238 = arith.addi %mul3A_108, %add3A_237 : i32
          %get3A_239 = arith.index_cast %add3A_238 : i32 to index
          %get3A_240 = tpu.vector_load %arg4[%get3A_239] {strides = array<i32>} : memref<4096xi32, #tpu.memory_space<vmem>>, vector<16xi32>,
          %get3A_241 = vector.shape_cast %get3A_240 : vector<16xi32> to vector<16xi32>
          %le3A_242 = vector.broadcast %add3A_44 : i32 to vector<16xi32>
          %le3A_243 = arith.cmpi sle, %get3A_241, %le3A_242 : vector<16xi32>
          %jit3A_244 = arith.constant 1 : i32
          %jit3A_245 = arith.constant 0 : i32
          %broadcast_in_dim3A_246 = vector.broadcast %jit3A_244 : i32 to vector<16xi32>
          %broadcast_in_dim3A_247 = vector.broadcast %jit3A_245 : i32 to vector<16xi32>
          %select_n3A_248 = arith.select %le3A_243, %broadcast_in_dim3A_246, %broadcast_in_dim3A_247 : vector<16xi1>, vector<16xi32>
          %add3A_249 = arith.addi %add3A_236, %select_n3A_248 : vector<16xi32>
          %add3A_250 = arith.constant 176 : i32
          %add3A_251 = arith.addi %mul3A_108, %add3A_250 : i32
          %get3A_252 = arith.index_cast %add3A_251 : i32 to index
          %get3A_253 = tpu.vector_load %arg4[%get3A_252] {strides = array<i32>} : memref<4096xi32, #tpu.memory_space<vmem>>, vector<16xi32>,
          %get3A_254 = vector.shape_cast %get3A_253 : vector<16xi32> to vector<16xi32>
          %le3A_255 = vector.broadcast %add3A_44 : i32 to vector<16xi32>
          %le3A_256 = arith.cmpi sle, %get3A_254, %le3A_255 : vector<16xi32>
          %jit3A_257 = arith.constant 1 : i32
          %jit3A_258 = arith.constant 0 : i32
          %broadcast_in_dim3A_259 = vector.broadcast %jit3A_257 : i32 to vector<16xi32>
          %broadcast_in_dim3A_260 = vector.broadcast %jit3A_258 : i32 to vector<16xi32>
          %select_n3A_261 = arith.select %le3A_256, %broadcast_in_dim3A_259, %broadcast_in_dim3A_260 : vector<16xi1>, vector<16xi32>
          %add3A_262 = arith.addi %add3A_249, %select_n3A_261 : vector<16xi32>
          %add3A_263 = arith.constant 192 : i32
          %add3A_264 = arith.addi %mul3A_108, %add3A_263 : i32
          %get3A_265 = arith.index_cast %add3A_264 : i32 to index
          %get3A_266 = tpu.vector_load %arg4[%get3A_265] {strides = array<i32>} : memref<4096xi32, #tpu.memory_space<vmem>>, vector<16xi32>,
          %get3A_267 = vector.shape_cast %get3A_266 : vector<16xi32> to vector<16xi32>
          %le3A_268 = vector.broadcast %add3A_44 : i32 to vector<16xi32>
          %le3A_269 = arith.cmpi sle, %get3A_267, %le3A_268 : vector<16xi32>
          %jit3A_270 = arith.constant 1 : i32
          %jit3A_271 = arith.constant 0 : i32
          %broadcast_in_dim3A_272 = vector.broadcast %jit3A_270 : i32 to vector<16xi32>
          %broadcast_in_dim3A_273 = vector.broadcast %jit3A_271 : i32 to vector<16xi32>
          %select_n3A_274 = arith.select %le3A_269, %broadcast_in_dim3A_272, %broadcast_in_dim3A_273 : vector<16xi1>, vector<16xi32>
          %add3A_275 = arith.addi %add3A_262, %select_n3A_274 : vector<16xi32>
          %add3A_276 = arith.constant 208 : i32
          %add3A_277 = arith.addi %mul3A_108, %add3A_276 : i32
          %get3A_278 = arith.index_cast %add3A_277 : i32 to index
          %get3A_279 = tpu.vector_load %arg4[%get3A_278] {strides = array<i32>} : memref<4096xi32, #tpu.memory_space<vmem>>, vector<16xi32>,
          %get3A_280 = vector.shape_cast %get3A_279 : vector<16xi32> to vector<16xi32>
          %le3A_281 = vector.broadcast %add3A_44 : i32 to vector<16xi32>
          %le3A_282 = arith.cmpi sle, %get3A_280, %le3A_281 : vector<16xi32>
          %jit3A_283 = arith.constant 1 : i32
          %jit3A_284 = arith.constant 0 : i32
          %broadcast_in_dim3A_285 = vector.broadcast %jit3A_283 : i32 to vector<16xi32>
          %broadcast_in_dim3A_286 = vector.broadcast %jit3A_284 : i32 to vector<16xi32>
          %select_n3A_287 = arith.select %le3A_282, %broadcast_in_dim3A_285, %broadcast_in_dim3A_286 : vector<16xi1>, vector<16xi32>
          %add3A_288 = arith.addi %add3A_275, %select_n3A_287 : vector<16xi32>
          %add3A_289 = arith.constant 224 : i32
          %add3A_290 = arith.addi %mul3A_108, %add3A_289 : i32
          %get3A_291 = arith.index_cast %add3A_290 : i32 to index
          %get3A_292 = tpu.vector_load %arg4[%get3A_291] {strides = array<i32>} : memref<4096xi32, #tpu.memory_space<vmem>>, vector<16xi32>,
          %get3A_293 = vector.shape_cast %get3A_292 : vector<16xi32> to vector<16xi32>
          %le3A_294 = vector.broadcast %add3A_44 : i32 to vector<16xi32>
          %le3A_295 = arith.cmpi sle, %get3A_293, %le3A_294 : vector<16xi32>
          %jit3A_296 = arith.constant 1 : i32
          %jit3A_297 = arith.constant 0 : i32
          %broadcast_in_dim3A_298 = vector.broadcast %jit3A_296 : i32 to vector<16xi32>
          %broadcast_in_dim3A_299 = vector.broadcast %jit3A_297 : i32 to vector<16xi32>
          %select_n3A_300 = arith.select %le3A_295, %broadcast_in_dim3A_298, %broadcast_in_dim3A_299 : vector<16xi1>, vector<16xi32>
          %add3A_301 = arith.addi %add3A_288, %select_n3A_300 : vector<16xi32>
          %add3A_302 = arith.constant 240 : i32
          %add3A_303 = arith.addi %mul3A_108, %add3A_302 : i32
          %get3A_304 = arith.index_cast %add3A_303 : i32 to index
          %get3A_305 = tpu.vector_load %arg4[%get3A_304] {strides = array<i32>} : memref<4096xi32, #tpu.memory_space<vmem>>, vector<16xi32>,
          %get3A_306 = vector.shape_cast %get3A_305 : vector<16xi32> to vector<16xi32>
          %le3A_307 = vector.broadcast %add3A_44 : i32 to vector<16xi32>
          %le3A_308 = arith.cmpi sle, %get3A_306, %le3A_307 : vector<16xi32>
          %jit3A_309 = arith.constant 1 : i32
          %jit3A_310 = arith.constant 0 : i32
          %broadcast_in_dim3A_311 = vector.broadcast %jit3A_309 : i32 to vector<16xi32>
          %broadcast_in_dim3A_312 = vector.broadcast %jit3A_310 : i32 to vector<16xi32>
          %select_n3A_313 = arith.select %le3A_308, %broadcast_in_dim3A_311, %broadcast_in_dim3A_312 : vector<16xi1>, vector<16xi32>
          %add3A_314 = arith.addi %add3A_301, %select_n3A_313 : vector<16xi32>
          scf.yield %add3A_314 : vector<16xi32>
        }
        %scan3A_51 = arith.constant 16 : i32
        %slice3A = vector.extract_strided_slice %scan3A_50 {offsets = [0], sizes = [1], strides = [1]} : vector<16xi32> to vector<1xi32>
        %squeeze3A = vector.extract %slice3A[0] : i32 from vector<1xi32>
        %add3A_52 = arith.constant 0 : i32
        %add3A_53 = arith.addi %add3A_52, %squeeze3A : i32
        %slice3A_54 = vector.extract_strided_slice %scan3A_50 {offsets = [1], sizes = [1], strides = [1]} : vector<16xi32> to vector<1xi32>
        %squeeze3A_55 = vector.extract %slice3A_54[0] : i32 from vector<1xi32>
        %add3A_56 = arith.addi %add3A_53, %squeeze3A_55 : i32
        %slice3A_57 = vector.extract_strided_slice %scan3A_50 {offsets = [2], sizes = [1], strides = [1]} : vector<16xi32> to vector<1xi32>
        %squeeze3A_58 = vector.extract %slice3A_57[0] : i32 from vector<1xi32>
        %add3A_59 = arith.addi %add3A_56, %squeeze3A_58 : i32
        %slice3A_60 = vector.extract_strided_slice %scan3A_50 {offsets = [3], sizes = [1], strides = [1]} : vector<16xi32> to vector<1xi32>
        %squeeze3A_61 = vector.extract %slice3A_60[0] : i32 from vector<1xi32>
        %add3A_62 = arith.addi %add3A_59, %squeeze3A_61 : i32
        %slice3A_63 = vector.extract_strided_slice %scan3A_50 {offsets = [4], sizes = [1], strides = [1]} : vector<16xi32> to vector<1xi32>
        %squeeze3A_64 = vector.extract %slice3A_63[0] : i32 from vector<1xi32>
        %add3A_65 = arith.addi %add3A_62, %squeeze3A_64 : i32
        %slice3A_66 = vector.extract_strided_slice %scan3A_50 {offsets = [5], sizes = [1], strides = [1]} : vector<16xi32> to vector<1xi32>
        %squeeze3A_67 = vector.extract %slice3A_66[0] : i32 from vector<1xi32>
        %add3A_68 = arith.addi %add3A_65, %squeeze3A_67 : i32
        %slice3A_69 = vector.extract_strided_slice %scan3A_50 {offsets = [6], sizes = [1], strides = [1]} : vector<16xi32> to vector<1xi32>
        %squeeze3A_70 = vector.extract %slice3A_69[0] : i32 from vector<1xi32>
        %add3A_71 = arith.addi %add3A_68, %squeeze3A_70 : i32
        %slice3A_72 = vector.extract_strided_slice %scan3A_50 {offsets = [7], sizes = [1], strides = [1]} : vector<16xi32> to vector<1xi32>
        %squeeze3A_73 = vector.extract %slice3A_72[0] : i32 from vector<1xi32>
        %add3A_74 = arith.addi %add3A_71, %squeeze3A_73 : i32
        %slice3A_75 = vector.extract_strided_slice %scan3A_50 {offsets = [8], sizes = [1], strides = [1]} : vector<16xi32> to vector<1xi32>
        %squeeze3A_76 = vector.extract %slice3A_75[0] : i32 from vector<1xi32>
        %add3A_77 = arith.addi %add3A_74, %squeeze3A_76 : i32
        %slice3A_78 = vector.extract_strided_slice %scan3A_50 {offsets = [9], sizes = [1], strides = [1]} : vector<16xi32> to vector<1xi32>
        %squeeze3A_79 = vector.extract %slice3A_78[0] : i32 from vector<1xi32>
        %add3A_80 = arith.addi %add3A_77, %squeeze3A_79 : i32
        %slice3A_81 = vector.extract_strided_slice %scan3A_50 {offsets = [10], sizes = [1], strides = [1]} : vector<16xi32> to vector<1xi32>
        %squeeze3A_82 = vector.extract %slice3A_81[0] : i32 from vector<1xi32>
        %add3A_83 = arith.addi %add3A_80, %squeeze3A_82 : i32
        %slice3A_84 = vector.extract_strided_slice %scan3A_50 {offsets = [11], sizes = [1], strides = [1]} : vector<16xi32> to vector<1xi32>
        %squeeze3A_85 = vector.extract %slice3A_84[0] : i32 from vector<1xi32>
        %add3A_86 = arith.addi %add3A_83, %squeeze3A_85 : i32
        %slice3A_87 = vector.extract_strided_slice %scan3A_50 {offsets = [12], sizes = [1], strides = [1]} : vector<16xi32> to vector<1xi32>
        %squeeze3A_88 = vector.extract %slice3A_87[0] : i32 from vector<1xi32>
        %add3A_89 = arith.addi %add3A_86, %squeeze3A_88 : i32
        %slice3A_90 = vector.extract_strided_slice %scan3A_50 {offsets = [13], sizes = [1], strides = [1]} : vector<16xi32> to vector<1xi32>
        %squeeze3A_91 = vector.extract %slice3A_90[0] : i32 from vector<1xi32>
        %add3A_92 = arith.addi %add3A_89, %squeeze3A_91 : i32
        %slice3A_93 = vector.extract_strided_slice %scan3A_50 {offsets = [14], sizes = [1], strides = [1]} : vector<16xi32> to vector<1xi32>
        %squeeze3A_94 = vector.extract %slice3A_93[0] : i32 from vector<1xi32>
        %add3A_95 = arith.addi %add3A_92, %squeeze3A_94 : i32
        %slice3A_96 = vector.extract_strided_slice %scan3A_50 {offsets = [15], sizes = [1], strides = [1]} : vector<16xi32> to vector<1xi32>
        %squeeze3A_97 = vector.extract %slice3A_96[0] : i32 from vector<1xi32>
        %add3A_98 = arith.addi %add3A_95, %squeeze3A_97 : i32
        %ge3A = arith.constant 819 : i32
        %ge3A_99 = arith.cmpi sge, %add3A_98, %ge3A : i32
        %add3A_100 = arith.constant 1 : i32
        %add3A_101 = arith.addi %add3A_44, %add3A_100 : i32
        %select_n3A_102 = arith.select %ge3A_99, %scan3A_24, %add3A_101 : i32
        %select_n3A_103 = arith.select %ge3A_99, %add3A_44, %scan3A_25 : i32
        %select_n3A_104 = arith.select %ge3A_99, %add3A_98, %scan3A_26 : i32
        scf.yield %select_n3A_102, %select_n3A_103, %select_n3A_104 : i32, i32, i32
      }
      %scan3A_10 = arith.constant 30 : i32
      %eq3A = arith.constant 819 : i32
      %eq3A_11 = arith.cmpi eq, %scan3A_9#2, %eq3A : i32
      %convert_element_type3A_12 = arith.extui %eq3A_11 : i1 to i32
      %cond3A_13 = arith.constant 0 : i32
      %cond3A_14 = arith.cmpi ne, %convert_element_type3A_12, %cond3A_13 : i32
      %cond3A_15 = scf.if %cond3A_14 -> (i32) {
        %cond3A_23 = arith.constant 4095 : i32
        scf.yield %cond3A_23 : i32
      } else {
        %sub3A = arith.constant 1 : i32
        %sub3A_23 = arith.subi %scan3A_9#0, %sub3A : i32
        %broadcast_in_dim3A = arith.constant 0 : i32
        %broadcast_in_dim3A_24 = vector.broadcast %broadcast_in_dim3A : i32 to vector<16xi32>
        %scan3A_25 = arith.constant 0 : i32
        %scan3A_26 = arith.constant 16 : i32
        %scan3A_27 = arith.addi %scan3A_25, %scan3A_26 : i32
        %scan3A_28 = arith.constant 1 : i32
        %scan3A_29 = scf.for %scan3A_88 = %scan3A_25 to %scan3A_27 step %scan3A_28 iter_args(%scan3A_89 = %broadcast_in_dim3A_24) -> (vector<16xi32>)  : i32 {
          %mul3A_90 = arith.constant 256 : i32
          %mul3A_91 = arith.muli %scan3A_88, %mul3A_90 : i32
          %add3A_92 = arith.constant 0 : i32
          %add3A_93 = arith.addi %mul3A_91, %add3A_92 : i32
          %get3A = arith.index_cast %add3A_93 : i32 to index
          %get3A_94 = tpu.vector_load %arg4[%get3A] {strides = array<i32>} : memref<4096xi32, #tpu.memory_space<vmem>>, vector<16xi32>,
          %get3A_95 = vector.shape_cast %get3A_94 : vector<16xi32> to vector<16xi32>
          %le3A = vector.broadcast %sub3A_23 : i32 to vector<16xi32>
          %le3A_96 = arith.cmpi sle, %get3A_95, %le3A : vector<16xi32>
          %jit3A = arith.constant 1 : i32
          %jit3A_97 = arith.constant 0 : i32
          %broadcast_in_dim3A_98 = vector.broadcast %jit3A : i32 to vector<16xi32>
          %broadcast_in_dim3A_99 = vector.broadcast %jit3A_97 : i32 to vector<16xi32>
          %select_n3A = arith.select %le3A_96, %broadcast_in_dim3A_98, %broadcast_in_dim3A_99 : vector<16xi1>, vector<16xi32>
          %add3A_100 = arith.addi %scan3A_89, %select_n3A : vector<16xi32>
          %add3A_101 = arith.constant 16 : i32
          %add3A_102 = arith.addi %mul3A_91, %add3A_101 : i32
          %get3A_103 = arith.index_cast %add3A_102 : i32 to index
          %get3A_104 = tpu.vector_load %arg4[%get3A_103] {strides = array<i32>} : memref<4096xi32, #tpu.memory_space<vmem>>, vector<16xi32>,
          %get3A_105 = vector.shape_cast %get3A_104 : vector<16xi32> to vector<16xi32>
          %le3A_106 = vector.broadcast %sub3A_23 : i32 to vector<16xi32>
          %le3A_107 = arith.cmpi sle, %get3A_105, %le3A_106 : vector<16xi32>
          %jit3A_108 = arith.constant 1 : i32
          %jit3A_109 = arith.constant 0 : i32
          %broadcast_in_dim3A_110 = vector.broadcast %jit3A_108 : i32 to vector<16xi32>
          %broadcast_in_dim3A_111 = vector.broadcast %jit3A_109 : i32 to vector<16xi32>
          %select_n3A_112 = arith.select %le3A_107, %broadcast_in_dim3A_110, %broadcast_in_dim3A_111 : vector<16xi1>, vector<16xi32>
          %add3A_113 = arith.addi %add3A_100, %select_n3A_112 : vector<16xi32>
          %add3A_114 = arith.constant 32 : i32
          %add3A_115 = arith.addi %mul3A_91, %add3A_114 : i32
          %get3A_116 = arith.index_cast %add3A_115 : i32 to index
          %get3A_117 = tpu.vector_load %arg4[%get3A_116] {strides = array<i32>} : memref<4096xi32, #tpu.memory_space<vmem>>, vector<16xi32>,
          %get3A_118 = vector.shape_cast %get3A_117 : vector<16xi32> to vector<16xi32>
          %le3A_119 = vector.broadcast %sub3A_23 : i32 to vector<16xi32>
          %le3A_120 = arith.cmpi sle, %get3A_118, %le3A_119 : vector<16xi32>
          %jit3A_121 = arith.constant 1 : i32
          %jit3A_122 = arith.constant 0 : i32
          %broadcast_in_dim3A_123 = vector.broadcast %jit3A_121 : i32 to vector<16xi32>
          %broadcast_in_dim3A_124 = vector.broadcast %jit3A_122 : i32 to vector<16xi32>
          %select_n3A_125 = arith.select %le3A_120, %broadcast_in_dim3A_123, %broadcast_in_dim3A_124 : vector<16xi1>, vector<16xi32>
          %add3A_126 = arith.addi %add3A_113, %select_n3A_125 : vector<16xi32>
          %add3A_127 = arith.constant 48 : i32
          %add3A_128 = arith.addi %mul3A_91, %add3A_127 : i32
          %get3A_129 = arith.index_cast %add3A_128 : i32 to index
          %get3A_130 = tpu.vector_load %arg4[%get3A_129] {strides = array<i32>} : memref<4096xi32, #tpu.memory_space<vmem>>, vector<16xi32>,
          %get3A_131 = vector.shape_cast %get3A_130 : vector<16xi32> to vector<16xi32>
          %le3A_132 = vector.broadcast %sub3A_23 : i32 to vector<16xi32>
          %le3A_133 = arith.cmpi sle, %get3A_131, %le3A_132 : vector<16xi32>
          %jit3A_134 = arith.constant 1 : i32
          %jit3A_135 = arith.constant 0 : i32
          %broadcast_in_dim3A_136 = vector.broadcast %jit3A_134 : i32 to vector<16xi32>
          %broadcast_in_dim3A_137 = vector.broadcast %jit3A_135 : i32 to vector<16xi32>
          %select_n3A_138 = arith.select %le3A_133, %broadcast_in_dim3A_136, %broadcast_in_dim3A_137 : vector<16xi1>, vector<16xi32>
          %add3A_139 = arith.addi %add3A_126, %select_n3A_138 : vector<16xi32>
          %add3A_140 = arith.constant 64 : i32
          %add3A_141 = arith.addi %mul3A_91, %add3A_140 : i32
          %get3A_142 = arith.index_cast %add3A_141 : i32 to index
          %get3A_143 = tpu.vector_load %arg4[%get3A_142] {strides = array<i32>} : memref<4096xi32, #tpu.memory_space<vmem>>, vector<16xi32>,
          %get3A_144 = vector.shape_cast %get3A_143 : vector<16xi32> to vector<16xi32>
          %le3A_145 = vector.broadcast %sub3A_23 : i32 to vector<16xi32>
          %le3A_146 = arith.cmpi sle, %get3A_144, %le3A_145 : vector<16xi32>
          %jit3A_147 = arith.constant 1 : i32
          %jit3A_148 = arith.constant 0 : i32
          %broadcast_in_dim3A_149 = vector.broadcast %jit3A_147 : i32 to vector<16xi32>
          %broadcast_in_dim3A_150 = vector.broadcast %jit3A_148 : i32 to vector<16xi32>
          %select_n3A_151 = arith.select %le3A_146, %broadcast_in_dim3A_149, %broadcast_in_dim3A_150 : vector<16xi1>, vector<16xi32>
          %add3A_152 = arith.addi %add3A_139, %select_n3A_151 : vector<16xi32>
          %add3A_153 = arith.constant 80 : i32
          %add3A_154 = arith.addi %mul3A_91, %add3A_153 : i32
          %get3A_155 = arith.index_cast %add3A_154 : i32 to index
          %get3A_156 = tpu.vector_load %arg4[%get3A_155] {strides = array<i32>} : memref<4096xi32, #tpu.memory_space<vmem>>, vector<16xi32>,
          %get3A_157 = vector.shape_cast %get3A_156 : vector<16xi32> to vector<16xi32>
          %le3A_158 = vector.broadcast %sub3A_23 : i32 to vector<16xi32>
          %le3A_159 = arith.cmpi sle, %get3A_157, %le3A_158 : vector<16xi32>
          %jit3A_160 = arith.constant 1 : i32
          %jit3A_161 = arith.constant 0 : i32
          %broadcast_in_dim3A_162 = vector.broadcast %jit3A_160 : i32 to vector<16xi32>
          %broadcast_in_dim3A_163 = vector.broadcast %jit3A_161 : i32 to vector<16xi32>
          %select_n3A_164 = arith.select %le3A_159, %broadcast_in_dim3A_162, %broadcast_in_dim3A_163 : vector<16xi1>, vector<16xi32>
          %add3A_165 = arith.addi %add3A_152, %select_n3A_164 : vector<16xi32>
          %add3A_166 = arith.constant 96 : i32
          %add3A_167 = arith.addi %mul3A_91, %add3A_166 : i32
          %get3A_168 = arith.index_cast %add3A_167 : i32 to index
          %get3A_169 = tpu.vector_load %arg4[%get3A_168] {strides = array<i32>} : memref<4096xi32, #tpu.memory_space<vmem>>, vector<16xi32>,
          %get3A_170 = vector.shape_cast %get3A_169 : vector<16xi32> to vector<16xi32>
          %le3A_171 = vector.broadcast %sub3A_23 : i32 to vector<16xi32>
          %le3A_172 = arith.cmpi sle, %get3A_170, %le3A_171 : vector<16xi32>
          %jit3A_173 = arith.constant 1 : i32
          %jit3A_174 = arith.constant 0 : i32
          %broadcast_in_dim3A_175 = vector.broadcast %jit3A_173 : i32 to vector<16xi32>
          %broadcast_in_dim3A_176 = vector.broadcast %jit3A_174 : i32 to vector<16xi32>
          %select_n3A_177 = arith.select %le3A_172, %broadcast_in_dim3A_175, %broadcast_in_dim3A_176 : vector<16xi1>, vector<16xi32>
          %add3A_178 = arith.addi %add3A_165, %select_n3A_177 : vector<16xi32>
          %add3A_179 = arith.constant 112 : i32
          %add3A_180 = arith.addi %mul3A_91, %add3A_179 : i32
          %get3A_181 = arith.index_cast %add3A_180 : i32 to index
          %get3A_182 = tpu.vector_load %arg4[%get3A_181] {strides = array<i32>} : memref<4096xi32, #tpu.memory_space<vmem>>, vector<16xi32>,
          %get3A_183 = vector.shape_cast %get3A_182 : vector<16xi32> to vector<16xi32>
          %le3A_184 = vector.broadcast %sub3A_23 : i32 to vector<16xi32>
          %le3A_185 = arith.cmpi sle, %get3A_183, %le3A_184 : vector<16xi32>
          %jit3A_186 = arith.constant 1 : i32
          %jit3A_187 = arith.constant 0 : i32
          %broadcast_in_dim3A_188 = vector.broadcast %jit3A_186 : i32 to vector<16xi32>
          %broadcast_in_dim3A_189 = vector.broadcast %jit3A_187 : i32 to vector<16xi32>
          %select_n3A_190 = arith.select %le3A_185, %broadcast_in_dim3A_188, %broadcast_in_dim3A_189 : vector<16xi1>, vector<16xi32>
          %add3A_191 = arith.addi %add3A_178, %select_n3A_190 : vector<16xi32>
          %add3A_192 = arith.constant 128 : i32
          %add3A_193 = arith.addi %mul3A_91, %add3A_192 : i32
          %get3A_194 = arith.index_cast %add3A_193 : i32 to index
          %get3A_195 = tpu.vector_load %arg4[%get3A_194] {strides = array<i32>} : memref<4096xi32, #tpu.memory_space<vmem>>, vector<16xi32>,
          %get3A_196 = vector.shape_cast %get3A_195 : vector<16xi32> to vector<16xi32>
          %le3A_197 = vector.broadcast %sub3A_23 : i32 to vector<16xi32>
          %le3A_198 = arith.cmpi sle, %get3A_196, %le3A_197 : vector<16xi32>
          %jit3A_199 = arith.constant 1 : i32
          %jit3A_200 = arith.constant 0 : i32
          %broadcast_in_dim3A_201 = vector.broadcast %jit3A_199 : i32 to vector<16xi32>
          %broadcast_in_dim3A_202 = vector.broadcast %jit3A_200 : i32 to vector<16xi32>
          %select_n3A_203 = arith.select %le3A_198, %broadcast_in_dim3A_201, %broadcast_in_dim3A_202 : vector<16xi1>, vector<16xi32>
          %add3A_204 = arith.addi %add3A_191, %select_n3A_203 : vector<16xi32>
          %add3A_205 = arith.constant 144 : i32
          %add3A_206 = arith.addi %mul3A_91, %add3A_205 : i32
          %get3A_207 = arith.index_cast %add3A_206 : i32 to index
          %get3A_208 = tpu.vector_load %arg4[%get3A_207] {strides = array<i32>} : memref<4096xi32, #tpu.memory_space<vmem>>, vector<16xi32>,
          %get3A_209 = vector.shape_cast %get3A_208 : vector<16xi32> to vector<16xi32>
          %le3A_210 = vector.broadcast %sub3A_23 : i32 to vector<16xi32>
          %le3A_211 = arith.cmpi sle, %get3A_209, %le3A_210 : vector<16xi32>
          %jit3A_212 = arith.constant 1 : i32
          %jit3A_213 = arith.constant 0 : i32
          %broadcast_in_dim3A_214 = vector.broadcast %jit3A_212 : i32 to vector<16xi32>
          %broadcast_in_dim3A_215 = vector.broadcast %jit3A_213 : i32 to vector<16xi32>
          %select_n3A_216 = arith.select %le3A_211, %broadcast_in_dim3A_214, %broadcast_in_dim3A_215 : vector<16xi1>, vector<16xi32>
          %add3A_217 = arith.addi %add3A_204, %select_n3A_216 : vector<16xi32>
          %add3A_218 = arith.constant 160 : i32
          %add3A_219 = arith.addi %mul3A_91, %add3A_218 : i32
          %get3A_220 = arith.index_cast %add3A_219 : i32 to index
          %get3A_221 = tpu.vector_load %arg4[%get3A_220] {strides = array<i32>} : memref<4096xi32, #tpu.memory_space<vmem>>, vector<16xi32>,
          %get3A_222 = vector.shape_cast %get3A_221 : vector<16xi32> to vector<16xi32>
          %le3A_223 = vector.broadcast %sub3A_23 : i32 to vector<16xi32>
          %le3A_224 = arith.cmpi sle, %get3A_222, %le3A_223 : vector<16xi32>
          %jit3A_225 = arith.constant 1 : i32
          %jit3A_226 = arith.constant 0 : i32
          %broadcast_in_dim3A_227 = vector.broadcast %jit3A_225 : i32 to vector<16xi32>
          %broadcast_in_dim3A_228 = vector.broadcast %jit3A_226 : i32 to vector<16xi32>
          %select_n3A_229 = arith.select %le3A_224, %broadcast_in_dim3A_227, %broadcast_in_dim3A_228 : vector<16xi1>, vector<16xi32>
          %add3A_230 = arith.addi %add3A_217, %select_n3A_229 : vector<16xi32>
          %add3A_231 = arith.constant 176 : i32
          %add3A_232 = arith.addi %mul3A_91, %add3A_231 : i32
          %get3A_233 = arith.index_cast %add3A_232 : i32 to index
          %get3A_234 = tpu.vector_load %arg4[%get3A_233] {strides = array<i32>} : memref<4096xi32, #tpu.memory_space<vmem>>, vector<16xi32>,
          %get3A_235 = vector.shape_cast %get3A_234 : vector<16xi32> to vector<16xi32>
          %le3A_236 = vector.broadcast %sub3A_23 : i32 to vector<16xi32>
          %le3A_237 = arith.cmpi sle, %get3A_235, %le3A_236 : vector<16xi32>
          %jit3A_238 = arith.constant 1 : i32
          %jit3A_239 = arith.constant 0 : i32
          %broadcast_in_dim3A_240 = vector.broadcast %jit3A_238 : i32 to vector<16xi32>
          %broadcast_in_dim3A_241 = vector.broadcast %jit3A_239 : i32 to vector<16xi32>
          %select_n3A_242 = arith.select %le3A_237, %broadcast_in_dim3A_240, %broadcast_in_dim3A_241 : vector<16xi1>, vector<16xi32>
          %add3A_243 = arith.addi %add3A_230, %select_n3A_242 : vector<16xi32>
          %add3A_244 = arith.constant 192 : i32
          %add3A_245 = arith.addi %mul3A_91, %add3A_244 : i32
          %get3A_246 = arith.index_cast %add3A_245 : i32 to index
          %get3A_247 = tpu.vector_load %arg4[%get3A_246] {strides = array<i32>} : memref<4096xi32, #tpu.memory_space<vmem>>, vector<16xi32>,
          %get3A_248 = vector.shape_cast %get3A_247 : vector<16xi32> to vector<16xi32>
          %le3A_249 = vector.broadcast %sub3A_23 : i32 to vector<16xi32>
          %le3A_250 = arith.cmpi sle, %get3A_248, %le3A_249 : vector<16xi32>
          %jit3A_251 = arith.constant 1 : i32
          %jit3A_252 = arith.constant 0 : i32
          %broadcast_in_dim3A_253 = vector.broadcast %jit3A_251 : i32 to vector<16xi32>
          %broadcast_in_dim3A_254 = vector.broadcast %jit3A_252 : i32 to vector<16xi32>
          %select_n3A_255 = arith.select %le3A_250, %broadcast_in_dim3A_253, %broadcast_in_dim3A_254 : vector<16xi1>, vector<16xi32>
          %add3A_256 = arith.addi %add3A_243, %select_n3A_255 : vector<16xi32>
          %add3A_257 = arith.constant 208 : i32
          %add3A_258 = arith.addi %mul3A_91, %add3A_257 : i32
          %get3A_259 = arith.index_cast %add3A_258 : i32 to index
          %get3A_260 = tpu.vector_load %arg4[%get3A_259] {strides = array<i32>} : memref<4096xi32, #tpu.memory_space<vmem>>, vector<16xi32>,
          %get3A_261 = vector.shape_cast %get3A_260 : vector<16xi32> to vector<16xi32>
          %le3A_262 = vector.broadcast %sub3A_23 : i32 to vector<16xi32>
          %le3A_263 = arith.cmpi sle, %get3A_261, %le3A_262 : vector<16xi32>
          %jit3A_264 = arith.constant 1 : i32
          %jit3A_265 = arith.constant 0 : i32
          %broadcast_in_dim3A_266 = vector.broadcast %jit3A_264 : i32 to vector<16xi32>
          %broadcast_in_dim3A_267 = vector.broadcast %jit3A_265 : i32 to vector<16xi32>
          %select_n3A_268 = arith.select %le3A_263, %broadcast_in_dim3A_266, %broadcast_in_dim3A_267 : vector<16xi1>, vector<16xi32>
          %add3A_269 = arith.addi %add3A_256, %select_n3A_268 : vector<16xi32>
          %add3A_270 = arith.constant 224 : i32
          %add3A_271 = arith.addi %mul3A_91, %add3A_270 : i32
          %get3A_272 = arith.index_cast %add3A_271 : i32 to index
          %get3A_273 = tpu.vector_load %arg4[%get3A_272] {strides = array<i32>} : memref<4096xi32, #tpu.memory_space<vmem>>, vector<16xi32>,
          %get3A_274 = vector.shape_cast %get3A_273 : vector<16xi32> to vector<16xi32>
          %le3A_275 = vector.broadcast %sub3A_23 : i32 to vector<16xi32>
          %le3A_276 = arith.cmpi sle, %get3A_274, %le3A_275 : vector<16xi32>
          %jit3A_277 = arith.constant 1 : i32
          %jit3A_278 = arith.constant 0 : i32
          %broadcast_in_dim3A_279 = vector.broadcast %jit3A_277 : i32 to vector<16xi32>
          %broadcast_in_dim3A_280 = vector.broadcast %jit3A_278 : i32 to vector<16xi32>
          %select_n3A_281 = arith.select %le3A_276, %broadcast_in_dim3A_279, %broadcast_in_dim3A_280 : vector<16xi1>, vector<16xi32>
          %add3A_282 = arith.addi %add3A_269, %select_n3A_281 : vector<16xi32>
          %add3A_283 = arith.constant 240 : i32
          %add3A_284 = arith.addi %mul3A_91, %add3A_283 : i32
          %get3A_285 = arith.index_cast %add3A_284 : i32 to index
          %get3A_286 = tpu.vector_load %arg4[%get3A_285] {strides = array<i32>} : memref<4096xi32, #tpu.memory_space<vmem>>, vector<16xi32>,
          %get3A_287 = vector.shape_cast %get3A_286 : vector<16xi32> to vector<16xi32>
          %le3A_288 = vector.broadcast %sub3A_23 : i32 to vector<16xi32>
          %le3A_289 = arith.cmpi sle, %get3A_287, %le3A_288 : vector<16xi32>
          %jit3A_290 = arith.constant 1 : i32
          %jit3A_291 = arith.constant 0 : i32
          %broadcast_in_dim3A_292 = vector.broadcast %jit3A_290 : i32 to vector<16xi32>
          %broadcast_in_dim3A_293 = vector.broadcast %jit3A_291 : i32 to vector<16xi32>
          %select_n3A_294 = arith.select %le3A_289, %broadcast_in_dim3A_292, %broadcast_in_dim3A_293 : vector<16xi1>, vector<16xi32>
          %add3A_295 = arith.addi %add3A_282, %select_n3A_294 : vector<16xi32>
          scf.yield %add3A_295 : vector<16xi32>
        }
        %scan3A_30 = arith.constant 16 : i32
        %slice3A = vector.extract_strided_slice %scan3A_29 {offsets = [0], sizes = [1], strides = [1]} : vector<16xi32> to vector<1xi32>
        %squeeze3A = vector.extract %slice3A[0] : i32 from vector<1xi32>
        %add3A_31 = arith.constant 0 : i32
        %add3A_32 = arith.addi %add3A_31, %squeeze3A : i32
        %slice3A_33 = vector.extract_strided_slice %scan3A_29 {offsets = [1], sizes = [1], strides = [1]} : vector<16xi32> to vector<1xi32>
        %squeeze3A_34 = vector.extract %slice3A_33[0] : i32 from vector<1xi32>
        %add3A_35 = arith.addi %add3A_32, %squeeze3A_34 : i32
        %slice3A_36 = vector.extract_strided_slice %scan3A_29 {offsets = [2], sizes = [1], strides = [1]} : vector<16xi32> to vector<1xi32>
        %squeeze3A_37 = vector.extract %slice3A_36[0] : i32 from vector<1xi32>
        %add3A_38 = arith.addi %add3A_35, %squeeze3A_37 : i32
        %slice3A_39 = vector.extract_strided_slice %scan3A_29 {offsets = [3], sizes = [1], strides = [1]} : vector<16xi32> to vector<1xi32>
        %squeeze3A_40 = vector.extract %slice3A_39[0] : i32 from vector<1xi32>
        %add3A_41 = arith.addi %add3A_38, %squeeze3A_40 : i32
        %slice3A_42 = vector.extract_strided_slice %scan3A_29 {offsets = [4], sizes = [1], strides = [1]} : vector<16xi32> to vector<1xi32>
        %squeeze3A_43 = vector.extract %slice3A_42[0] : i32 from vector<1xi32>
        %add3A_44 = arith.addi %add3A_41, %squeeze3A_43 : i32
        %slice3A_45 = vector.extract_strided_slice %scan3A_29 {offsets = [5], sizes = [1], strides = [1]} : vector<16xi32> to vector<1xi32>
        %squeeze3A_46 = vector.extract %slice3A_45[0] : i32 from vector<1xi32>
        %add3A_47 = arith.addi %add3A_44, %squeeze3A_46 : i32
        %slice3A_48 = vector.extract_strided_slice %scan3A_29 {offsets = [6], sizes = [1], strides = [1]} : vector<16xi32> to vector<1xi32>
        %squeeze3A_49 = vector.extract %slice3A_48[0] : i32 from vector<1xi32>
        %add3A_50 = arith.addi %add3A_47, %squeeze3A_49 : i32
        %slice3A_51 = vector.extract_strided_slice %scan3A_29 {offsets = [7], sizes = [1], strides = [1]} : vector<16xi32> to vector<1xi32>
        %squeeze3A_52 = vector.extract %slice3A_51[0] : i32 from vector<1xi32>
        %add3A_53 = arith.addi %add3A_50, %squeeze3A_52 : i32
        %slice3A_54 = vector.extract_strided_slice %scan3A_29 {offsets = [8], sizes = [1], strides = [1]} : vector<16xi32> to vector<1xi32>
        %squeeze3A_55 = vector.extract %slice3A_54[0] : i32 from vector<1xi32>
        %add3A_56 = arith.addi %add3A_53, %squeeze3A_55 : i32
        %slice3A_57 = vector.extract_strided_slice %scan3A_29 {offsets = [9], sizes = [1], strides = [1]} : vector<16xi32> to vector<1xi32>
        %squeeze3A_58 = vector.extract %slice3A_57[0] : i32 from vector<1xi32>
        %add3A_59 = arith.addi %add3A_56, %squeeze3A_58 : i32
        %slice3A_60 = vector.extract_strided_slice %scan3A_29 {offsets = [10], sizes = [1], strides = [1]} : vector<16xi32> to vector<1xi32>
        %squeeze3A_61 = vector.extract %slice3A_60[0] : i32 from vector<1xi32>
        %add3A_62 = arith.addi %add3A_59, %squeeze3A_61 : i32
        %slice3A_63 = vector.extract_strided_slice %scan3A_29 {offsets = [11], sizes = [1], strides = [1]} : vector<16xi32> to vector<1xi32>
        %squeeze3A_64 = vector.extract %slice3A_63[0] : i32 from vector<1xi32>
        %add3A_65 = arith.addi %add3A_62, %squeeze3A_64 : i32
        %slice3A_66 = vector.extract_strided_slice %scan3A_29 {offsets = [12], sizes = [1], strides = [1]} : vector<16xi32> to vector<1xi32>
        %squeeze3A_67 = vector.extract %slice3A_66[0] : i32 from vector<1xi32>
        %add3A_68 = arith.addi %add3A_65, %squeeze3A_67 : i32
        %slice3A_69 = vector.extract_strided_slice %scan3A_29 {offsets = [13], sizes = [1], strides = [1]} : vector<16xi32> to vector<1xi32>
        %squeeze3A_70 = vector.extract %slice3A_69[0] : i32 from vector<1xi32>
        %add3A_71 = arith.addi %add3A_68, %squeeze3A_70 : i32
        %slice3A_72 = vector.extract_strided_slice %scan3A_29 {offsets = [14], sizes = [1], strides = [1]} : vector<16xi32> to vector<1xi32>
        %squeeze3A_73 = vector.extract %slice3A_72[0] : i32 from vector<1xi32>
        %add3A_74 = arith.addi %add3A_71, %squeeze3A_73 : i32
        %slice3A_75 = vector.extract_strided_slice %scan3A_29 {offsets = [15], sizes = [1], strides = [1]} : vector<16xi32> to vector<1xi32>
        %squeeze3A_76 = vector.extract %slice3A_75[0] : i32 from vector<1xi32>
        %add3A_77 = arith.addi %add3A_74, %squeeze3A_76 : i32
        %sub3A_78 = arith.constant 819 : i32
        %sub3A_79 = arith.subi %sub3A_78, %add3A_77 : i32
        %scan3A_80 = arith.constant -1 : i32
        %scan3A_81 = arith.constant 4095 : i32
        %scan3A_82 = arith.constant 0 : i32
        %scan3A_83 = arith.constant 13 : i32
        %scan3A_84 = arith.addi %scan3A_82, %scan3A_83 : i32
        %scan3A_85 = arith.constant 1 : i32
        %scan3A_86:2 = scf.for %scan3A_88 = %scan3A_82 to %scan3A_84 step %scan3A_85 iter_args(%scan3A_89 = %scan3A_80, %scan3A_90 = %scan3A_81) -> (i32, i32)  : i32 {
          %sub3A_91 = arith.subi %scan3A_90, %scan3A_89 : i32
          %add3A_92 = arith.constant 1 : i32
          %add3A_93 = arith.addi %sub3A_91, %add3A_92 : i32
          %jit3A = arith.constant 2 : i32
          %div3A = arith.divsi %add3A_93, %jit3A : i32
          %sign3A = arith.constant 0 : i32
          %sign3A_94 = arith.cmpi sgt, %add3A_93, %sign3A : i32
          %sign3A_95 = arith.extui %sign3A_94 : i1 to i32
          %sign3A_96 = arith.constant 0 : i32
          %sign3A_97 = arith.cmpi slt, %add3A_93, %sign3A_96 : i32
          %sign3A_98 = arith.extui %sign3A_97 : i1 to i32
          %sign3A_99 = arith.subi %sign3A_95, %sign3A_98 : i32
          %sign3A_100 = arith.constant 0 : i32
          %sign3A_101 = arith.cmpi sgt, %jit3A, %sign3A_100 : i32
          %sign3A_102 = arith.extui %sign3A_101 : i1 to i32
          %sign3A_103 = arith.constant 0 : i32
          %sign3A_104 = arith.cmpi slt, %jit3A, %sign3A_103 : i32
          %sign3A_105 = arith.extui %sign3A_104 : i1 to i32
          %sign3A_106 = arith.subi %sign3A_102, %sign3A_105 : i32
          %ne3A = arith.cmpi ne, %sign3A_99, %sign3A_106 : i32
          %rem3A = arith.remsi %add3A_93, %jit3A : i32
          %ne3A_107 = arith.constant 0 : i32
          %ne3A_108 = arith.cmpi ne, %rem3A, %ne3A_107 : i32
          %and3A = arith.andi %ne3A, %ne3A_108 : i1
          %sub3A_109 = arith.constant 1 : i32
          %sub3A_110 = arith.subi %div3A, %sub3A_109 : i32
          %select_n3A = arith.select %and3A, %sub3A_110, %div3A : i32
          %add3A_111 = arith.addi %scan3A_89, %select_n3A : i32
          %broadcast_in_dim3A_112 = arith.constant 0 : i32
          %broadcast_in_dim3A_113 = vector.broadcast %broadcast_in_dim3A_112 : i32 to vector<16xi32>
          %scan3A_114 = arith.constant 0 : i32
          %scan3A_115 = arith.constant 16 : i32
          %scan3A_116 = arith.addi %scan3A_114, %scan3A_115 : i32
          %scan3A_117 = arith.constant 1 : i32
          %scan3A_118 = scf.for %scan3A_171 = %scan3A_114 to %scan3A_116 step %scan3A_117 iter_args(%scan3A_172 = %broadcast_in_dim3A_113) -> (vector<16xi32>)  : i32 {
            %mul3A_173 = arith.constant 256 : i32
            %mul3A_174 = arith.muli %scan3A_171, %mul3A_173 : i32
            %add3A_175 = arith.constant 0 : i32
            %add3A_176 = arith.addi %mul3A_174, %add3A_175 : i32
            %get3A = arith.index_cast %add3A_176 : i32 to index
            %get3A_177 = tpu.vector_load %arg4[%get3A] {strides = array<i32>} : memref<4096xi32, #tpu.memory_space<vmem>>, vector<16xi32>,
            %get3A_178 = vector.shape_cast %get3A_177 : vector<16xi32> to vector<16xi32>
            %iota3A = tpu.iota {dimensions = array<i32: 0>} : vector<16xi32>
            %add3A_179 = arith.constant 0 : i32
            %add3A_180 = arith.addi %mul3A_174, %add3A_179 : i32
            %add3A_181 = vector.broadcast %add3A_180 : i32 to vector<16xi32>
            %add3A_182 = arith.addi %iota3A, %add3A_181 : vector<16xi32>
            %eq3A_183 = vector.broadcast %scan3A_9#0 : i32 to vector<16xi32>
            %eq3A_184 = arith.cmpi eq, %get3A_178, %eq3A_183 : vector<16xi32>
            %le3A = vector.broadcast %add3A_111 : i32 to vector<16xi32>
            %le3A_185 = arith.cmpi sle, %add3A_182, %le3A : vector<16xi32>
            %and3A_186 = arith.andi %eq3A_184, %le3A_185 : vector<16xi1>
            %jit3A_187 = arith.constant 1 : i32
            %jit3A_188 = arith.constant 0 : i32
            %broadcast_in_dim3A_189 = vector.broadcast %jit3A_187 : i32 to vector<16xi32>
            %broadcast_in_dim3A_190 = vector.broadcast %jit3A_188 : i32 to vector<16xi32>
            %select_n3A_191 = arith.select %and3A_186, %broadcast_in_dim3A_189, %broadcast_in_dim3A_190 : vector<16xi1>, vector<16xi32>
            %add3A_192 = arith.addi %scan3A_172, %select_n3A_191 : vector<16xi32>
            %add3A_193 = arith.constant 16 : i32
            %add3A_194 = arith.addi %mul3A_174, %add3A_193 : i32
            %get3A_195 = arith.index_cast %add3A_194 : i32 to index
            %get3A_196 = tpu.vector_load %arg4[%get3A_195] {strides = array<i32>} : memref<4096xi32, #tpu.memory_space<vmem>>, vector<16xi32>,
            %get3A_197 = vector.shape_cast %get3A_196 : vector<16xi32> to vector<16xi32>
            %iota3A_198 = tpu.iota {dimensions = array<i32: 0>} : vector<16xi32>
            %add3A_199 = arith.constant 16 : i32
            %add3A_200 = arith.addi %mul3A_174, %add3A_199 : i32
            %add3A_201 = vector.broadcast %add3A_200 : i32 to vector<16xi32>
            %add3A_202 = arith.addi %iota3A_198, %add3A_201 : vector<16xi32>
            %eq3A_203 = vector.broadcast %scan3A_9#0 : i32 to vector<16xi32>
            %eq3A_204 = arith.cmpi eq, %get3A_197, %eq3A_203 : vector<16xi32>
            %le3A_205 = vector.broadcast %add3A_111 : i32 to vector<16xi32>
            %le3A_206 = arith.cmpi sle, %add3A_202, %le3A_205 : vector<16xi32>
            %and3A_207 = arith.andi %eq3A_204, %le3A_206 : vector<16xi1>
            %jit3A_208 = arith.constant 1 : i32
            %jit3A_209 = arith.constant 0 : i32
            %broadcast_in_dim3A_210 = vector.broadcast %jit3A_208 : i32 to vector<16xi32>
            %broadcast_in_dim3A_211 = vector.broadcast %jit3A_209 : i32 to vector<16xi32>
            %select_n3A_212 = arith.select %and3A_207, %broadcast_in_dim3A_210, %broadcast_in_dim3A_211 : vector<16xi1>, vector<16xi32>
            %add3A_213 = arith.addi %add3A_192, %select_n3A_212 : vector<16xi32>
            %add3A_214 = arith.constant 32 : i32
            %add3A_215 = arith.addi %mul3A_174, %add3A_214 : i32
            %get3A_216 = arith.index_cast %add3A_215 : i32 to index
            %get3A_217 = tpu.vector_load %arg4[%get3A_216] {strides = array<i32>} : memref<4096xi32, #tpu.memory_space<vmem>>, vector<16xi32>,
            %get3A_218 = vector.shape_cast %get3A_217 : vector<16xi32> to vector<16xi32>
            %iota3A_219 = tpu.iota {dimensions = array<i32: 0>} : vector<16xi32>
            %add3A_220 = arith.constant 32 : i32
            %add3A_221 = arith.addi %mul3A_174, %add3A_220 : i32
            %add3A_222 = vector.broadcast %add3A_221 : i32 to vector<16xi32>
            %add3A_223 = arith.addi %iota3A_219, %add3A_222 : vector<16xi32>
            %eq3A_224 = vector.broadcast %scan3A_9#0 : i32 to vector<16xi32>
            %eq3A_225 = arith.cmpi eq, %get3A_218, %eq3A_224 : vector<16xi32>
            %le3A_226 = vector.broadcast %add3A_111 : i32 to vector<16xi32>
            %le3A_227 = arith.cmpi sle, %add3A_223, %le3A_226 : vector<16xi32>
            %and3A_228 = arith.andi %eq3A_225, %le3A_227 : vector<16xi1>
            %jit3A_229 = arith.constant 1 : i32
            %jit3A_230 = arith.constant 0 : i32
            %broadcast_in_dim3A_231 = vector.broadcast %jit3A_229 : i32 to vector<16xi32>
            %broadcast_in_dim3A_232 = vector.broadcast %jit3A_230 : i32 to vector<16xi32>
            %select_n3A_233 = arith.select %and3A_228, %broadcast_in_dim3A_231, %broadcast_in_dim3A_232 : vector<16xi1>, vector<16xi32>
            %add3A_234 = arith.addi %add3A_213, %select_n3A_233 : vector<16xi32>
            %add3A_235 = arith.constant 48 : i32
            %add3A_236 = arith.addi %mul3A_174, %add3A_235 : i32
            %get3A_237 = arith.index_cast %add3A_236 : i32 to index
            %get3A_238 = tpu.vector_load %arg4[%get3A_237] {strides = array<i32>} : memref<4096xi32, #tpu.memory_space<vmem>>, vector<16xi32>,
            %get3A_239 = vector.shape_cast %get3A_238 : vector<16xi32> to vector<16xi32>
            %iota3A_240 = tpu.iota {dimensions = array<i32: 0>} : vector<16xi32>
            %add3A_241 = arith.constant 48 : i32
            %add3A_242 = arith.addi %mul3A_174, %add3A_241 : i32
            %add3A_243 = vector.broadcast %add3A_242 : i32 to vector<16xi32>
            %add3A_244 = arith.addi %iota3A_240, %add3A_243 : vector<16xi32>
            %eq3A_245 = vector.broadcast %scan3A_9#0 : i32 to vector<16xi32>
            %eq3A_246 = arith.cmpi eq, %get3A_239, %eq3A_245 : vector<16xi32>
            %le3A_247 = vector.broadcast %add3A_111 : i32 to vector<16xi32>
            %le3A_248 = arith.cmpi sle, %add3A_244, %le3A_247 : vector<16xi32>
            %and3A_249 = arith.andi %eq3A_246, %le3A_248 : vector<16xi1>
            %jit3A_250 = arith.constant 1 : i32
            %jit3A_251 = arith.constant 0 : i32
            %broadcast_in_dim3A_252 = vector.broadcast %jit3A_250 : i32 to vector<16xi32>
            %broadcast_in_dim3A_253 = vector.broadcast %jit3A_251 : i32 to vector<16xi32>
            %select_n3A_254 = arith.select %and3A_249, %broadcast_in_dim3A_252, %broadcast_in_dim3A_253 : vector<16xi1>, vector<16xi32>
            %add3A_255 = arith.addi %add3A_234, %select_n3A_254 : vector<16xi32>
            %add3A_256 = arith.constant 64 : i32
            %add3A_257 = arith.addi %mul3A_174, %add3A_256 : i32
            %get3A_258 = arith.index_cast %add3A_257 : i32 to index
            %get3A_259 = tpu.vector_load %arg4[%get3A_258] {strides = array<i32>} : memref<4096xi32, #tpu.memory_space<vmem>>, vector<16xi32>,
            %get3A_260 = vector.shape_cast %get3A_259 : vector<16xi32> to vector<16xi32>
            %iota3A_261 = tpu.iota {dimensions = array<i32: 0>} : vector<16xi32>
            %add3A_262 = arith.constant 64 : i32
            %add3A_263 = arith.addi %mul3A_174, %add3A_262 : i32
            %add3A_264 = vector.broadcast %add3A_263 : i32 to vector<16xi32>
            %add3A_265 = arith.addi %iota3A_261, %add3A_264 : vector<16xi32>
            %eq3A_266 = vector.broadcast %scan3A_9#0 : i32 to vector<16xi32>
            %eq3A_267 = arith.cmpi eq, %get3A_260, %eq3A_266 : vector<16xi32>
            %le3A_268 = vector.broadcast %add3A_111 : i32 to vector<16xi32>
            %le3A_269 = arith.cmpi sle, %add3A_265, %le3A_268 : vector<16xi32>
            %and3A_270 = arith.andi %eq3A_267, %le3A_269 : vector<16xi1>
            %jit3A_271 = arith.constant 1 : i32
            %jit3A_272 = arith.constant 0 : i32
            %broadcast_in_dim3A_273 = vector.broadcast %jit3A_271 : i32 to vector<16xi32>
            %broadcast_in_dim3A_274 = vector.broadcast %jit3A_272 : i32 to vector<16xi32>
            %select_n3A_275 = arith.select %and3A_270, %broadcast_in_dim3A_273, %broadcast_in_dim3A_274 : vector<16xi1>, vector<16xi32>
            %add3A_276 = arith.addi %add3A_255, %select_n3A_275 : vector<16xi32>
            %add3A_277 = arith.constant 80 : i32
            %add3A_278 = arith.addi %mul3A_174, %add3A_277 : i32
            %get3A_279 = arith.index_cast %add3A_278 : i32 to index
            %get3A_280 = tpu.vector_load %arg4[%get3A_279] {strides = array<i32>} : memref<4096xi32, #tpu.memory_space<vmem>>, vector<16xi32>,
            %get3A_281 = vector.shape_cast %get3A_280 : vector<16xi32> to vector<16xi32>
            %iota3A_282 = tpu.iota {dimensions = array<i32: 0>} : vector<16xi32>
            %add3A_283 = arith.constant 80 : i32
            %add3A_284 = arith.addi %mul3A_174, %add3A_283 : i32
            %add3A_285 = vector.broadcast %add3A_284 : i32 to vector<16xi32>
            %add3A_286 = arith.addi %iota3A_282, %add3A_285 : vector<16xi32>
            %eq3A_287 = vector.broadcast %scan3A_9#0 : i32 to vector<16xi32>
            %eq3A_288 = arith.cmpi eq, %get3A_281, %eq3A_287 : vector<16xi32>
            %le3A_289 = vector.broadcast %add3A_111 : i32 to vector<16xi32>
            %le3A_290 = arith.cmpi sle, %add3A_286, %le3A_289 : vector<16xi32>
            %and3A_291 = arith.andi %eq3A_288, %le3A_290 : vector<16xi1>
            %jit3A_292 = arith.constant 1 : i32
            %jit3A_293 = arith.constant 0 : i32
            %broadcast_in_dim3A_294 = vector.broadcast %jit3A_292 : i32 to vector<16xi32>
            %broadcast_in_dim3A_295 = vector.broadcast %jit3A_293 : i32 to vector<16xi32>
            %select_n3A_296 = arith.select %and3A_291, %broadcast_in_dim3A_294, %broadcast_in_dim3A_295 : vector<16xi1>, vector<16xi32>
            %add3A_297 = arith.addi %add3A_276, %select_n3A_296 : vector<16xi32>
            %add3A_298 = arith.constant 96 : i32
            %add3A_299 = arith.addi %mul3A_174, %add3A_298 : i32
            %get3A_300 = arith.index_cast %add3A_299 : i32 to index
            %get3A_301 = tpu.vector_load %arg4[%get3A_300] {strides = array<i32>} : memref<4096xi32, #tpu.memory_space<vmem>>, vector<16xi32>,
            %get3A_302 = vector.shape_cast %get3A_301 : vector<16xi32> to vector<16xi32>
            %iota3A_303 = tpu.iota {dimensions = array<i32: 0>} : vector<16xi32>
            %add3A_304 = arith.constant 96 : i32
            %add3A_305 = arith.addi %mul3A_174, %add3A_304 : i32
            %add3A_306 = vector.broadcast %add3A_305 : i32 to vector<16xi32>
            %add3A_307 = arith.addi %iota3A_303, %add3A_306 : vector<16xi32>
            %eq3A_308 = vector.broadcast %scan3A_9#0 : i32 to vector<16xi32>
            %eq3A_309 = arith.cmpi eq, %get3A_302, %eq3A_308 : vector<16xi32>
            %le3A_310 = vector.broadcast %add3A_111 : i32 to vector<16xi32>
            %le3A_311 = arith.cmpi sle, %add3A_307, %le3A_310 : vector<16xi32>
            %and3A_312 = arith.andi %eq3A_309, %le3A_311 : vector<16xi1>
            %jit3A_313 = arith.constant 1 : i32
            %jit3A_314 = arith.constant 0 : i32
            %broadcast_in_dim3A_315 = vector.broadcast %jit3A_313 : i32 to vector<16xi32>
            %broadcast_in_dim3A_316 = vector.broadcast %jit3A_314 : i32 to vector<16xi32>
            %select_n3A_317 = arith.select %and3A_312, %broadcast_in_dim3A_315, %broadcast_in_dim3A_316 : vector<16xi1>, vector<16xi32>
            %add3A_318 = arith.addi %add3A_297, %select_n3A_317 : vector<16xi32>
            %add3A_319 = arith.constant 112 : i32
            %add3A_320 = arith.addi %mul3A_174, %add3A_319 : i32
            %get3A_321 = arith.index_cast %add3A_320 : i32 to index
            %get3A_322 = tpu.vector_load %arg4[%get3A_321] {strides = array<i32>} : memref<4096xi32, #tpu.memory_space<vmem>>, vector<16xi32>,
            %get3A_323 = vector.shape_cast %get3A_322 : vector<16xi32> to vector<16xi32>
            %iota3A_324 = tpu.iota {dimensions = array<i32: 0>} : vector<16xi32>
            %add3A_325 = arith.constant 112 : i32
            %add3A_326 = arith.addi %mul3A_174, %add3A_325 : i32
            %add3A_327 = vector.broadcast %add3A_326 : i32 to vector<16xi32>
            %add3A_328 = arith.addi %iota3A_324, %add3A_327 : vector<16xi32>
            %eq3A_329 = vector.broadcast %scan3A_9#0 : i32 to vector<16xi32>
            %eq3A_330 = arith.cmpi eq, %get3A_323, %eq3A_329 : vector<16xi32>
            %le3A_331 = vector.broadcast %add3A_111 : i32 to vector<16xi32>
            %le3A_332 = arith.cmpi sle, %add3A_328, %le3A_331 : vector<16xi32>
            %and3A_333 = arith.andi %eq3A_330, %le3A_332 : vector<16xi1>
            %jit3A_334 = arith.constant 1 : i32
            %jit3A_335 = arith.constant 0 : i32
            %broadcast_in_dim3A_336 = vector.broadcast %jit3A_334 : i32 to vector<16xi32>
            %broadcast_in_dim3A_337 = vector.broadcast %jit3A_335 : i32 to vector<16xi32>
            %select_n3A_338 = arith.select %and3A_333, %broadcast_in_dim3A_336, %broadcast_in_dim3A_337 : vector<16xi1>, vector<16xi32>
            %add3A_339 = arith.addi %add3A_318, %select_n3A_338 : vector<16xi32>
            %add3A_340 = arith.constant 128 : i32
            %add3A_341 = arith.addi %mul3A_174, %add3A_340 : i32
            %get3A_342 = arith.index_cast %add3A_341 : i32 to index
            %get3A_343 = tpu.vector_load %arg4[%get3A_342] {strides = array<i32>} : memref<4096xi32, #tpu.memory_space<vmem>>, vector<16xi32>,
            %get3A_344 = vector.shape_cast %get3A_343 : vector<16xi32> to vector<16xi32>
            %iota3A_345 = tpu.iota {dimensions = array<i32: 0>} : vector<16xi32>
            %add3A_346 = arith.constant 128 : i32
            %add3A_347 = arith.addi %mul3A_174, %add3A_346 : i32
            %add3A_348 = vector.broadcast %add3A_347 : i32 to vector<16xi32>
            %add3A_349 = arith.addi %iota3A_345, %add3A_348 : vector<16xi32>
            %eq3A_350 = vector.broadcast %scan3A_9#0 : i32 to vector<16xi32>
            %eq3A_351 = arith.cmpi eq, %get3A_344, %eq3A_350 : vector<16xi32>
            %le3A_352 = vector.broadcast %add3A_111 : i32 to vector<16xi32>
            %le3A_353 = arith.cmpi sle, %add3A_349, %le3A_352 : vector<16xi32>
            %and3A_354 = arith.andi %eq3A_351, %le3A_353 : vector<16xi1>
            %jit3A_355 = arith.constant 1 : i32
            %jit3A_356 = arith.constant 0 : i32
            %broadcast_in_dim3A_357 = vector.broadcast %jit3A_355 : i32 to vector<16xi32>
            %broadcast_in_dim3A_358 = vector.broadcast %jit3A_356 : i32 to vector<16xi32>
            %select_n3A_359 = arith.select %and3A_354, %broadcast_in_dim3A_357, %broadcast_in_dim3A_358 : vector<16xi1>, vector<16xi32>
            %add3A_360 = arith.addi %add3A_339, %select_n3A_359 : vector<16xi32>
            %add3A_361 = arith.constant 144 : i32
            %add3A_362 = arith.addi %mul3A_174, %add3A_361 : i32
            %get3A_363 = arith.index_cast %add3A_362 : i32 to index
            %get3A_364 = tpu.vector_load %arg4[%get3A_363] {strides = array<i32>} : memref<4096xi32, #tpu.memory_space<vmem>>, vector<16xi32>,
            %get3A_365 = vector.shape_cast %get3A_364 : vector<16xi32> to vector<16xi32>
            %iota3A_366 = tpu.iota {dimensions = array<i32: 0>} : vector<16xi32>
            %add3A_367 = arith.constant 144 : i32
            %add3A_368 = arith.addi %mul3A_174, %add3A_367 : i32
            %add3A_369 = vector.broadcast %add3A_368 : i32 to vector<16xi32>
            %add3A_370 = arith.addi %iota3A_366, %add3A_369 : vector<16xi32>
            %eq3A_371 = vector.broadcast %scan3A_9#0 : i32 to vector<16xi32>
            %eq3A_372 = arith.cmpi eq, %get3A_365, %eq3A_371 : vector<16xi32>
            %le3A_373 = vector.broadcast %add3A_111 : i32 to vector<16xi32>
            %le3A_374 = arith.cmpi sle, %add3A_370, %le3A_373 : vector<16xi32>
            %and3A_375 = arith.andi %eq3A_372, %le3A_374 : vector<16xi1>
            %jit3A_376 = arith.constant 1 : i32
            %jit3A_377 = arith.constant 0 : i32
            %broadcast_in_dim3A_378 = vector.broadcast %jit3A_376 : i32 to vector<16xi32>
            %broadcast_in_dim3A_379 = vector.broadcast %jit3A_377 : i32 to vector<16xi32>
            %select_n3A_380 = arith.select %and3A_375, %broadcast_in_dim3A_378, %broadcast_in_dim3A_379 : vector<16xi1>, vector<16xi32>
            %add3A_381 = arith.addi %add3A_360, %select_n3A_380 : vector<16xi32>
            %add3A_382 = arith.constant 160 : i32
            %add3A_383 = arith.addi %mul3A_174, %add3A_382 : i32
            %get3A_384 = arith.index_cast %add3A_383 : i32 to index
            %get3A_385 = tpu.vector_load %arg4[%get3A_384] {strides = array<i32>} : memref<4096xi32, #tpu.memory_space<vmem>>, vector<16xi32>,
            %get3A_386 = vector.shape_cast %get3A_385 : vector<16xi32> to vector<16xi32>
            %iota3A_387 = tpu.iota {dimensions = array<i32: 0>} : vector<16xi32>
            %add3A_388 = arith.constant 160 : i32
            %add3A_389 = arith.addi %mul3A_174, %add3A_388 : i32
            %add3A_390 = vector.broadcast %add3A_389 : i32 to vector<16xi32>
            %add3A_391 = arith.addi %iota3A_387, %add3A_390 : vector<16xi32>
            %eq3A_392 = vector.broadcast %scan3A_9#0 : i32 to vector<16xi32>
            %eq3A_393 = arith.cmpi eq, %get3A_386, %eq3A_392 : vector<16xi32>
            %le3A_394 = vector.broadcast %add3A_111 : i32 to vector<16xi32>
            %le3A_395 = arith.cmpi sle, %add3A_391, %le3A_394 : vector<16xi32>
            %and3A_396 = arith.andi %eq3A_393, %le3A_395 : vector<16xi1>
            %jit3A_397 = arith.constant 1 : i32
            %jit3A_398 = arith.constant 0 : i32
            %broadcast_in_dim3A_399 = vector.broadcast %jit3A_397 : i32 to vector<16xi32>
            %broadcast_in_dim3A_400 = vector.broadcast %jit3A_398 : i32 to vector<16xi32>
            %select_n3A_401 = arith.select %and3A_396, %broadcast_in_dim3A_399, %broadcast_in_dim3A_400 : vector<16xi1>, vector<16xi32>
            %add3A_402 = arith.addi %add3A_381, %select_n3A_401 : vector<16xi32>
            %add3A_403 = arith.constant 176 : i32
            %add3A_404 = arith.addi %mul3A_174, %add3A_403 : i32
            %get3A_405 = arith.index_cast %add3A_404 : i32 to index
            %get3A_406 = tpu.vector_load %arg4[%get3A_405] {strides = array<i32>} : memref<4096xi32, #tpu.memory_space<vmem>>, vector<16xi32>,
            %get3A_407 = vector.shape_cast %get3A_406 : vector<16xi32> to vector<16xi32>
            %iota3A_408 = tpu.iota {dimensions = array<i32: 0>} : vector<16xi32>
            %add3A_409 = arith.constant 176 : i32
            %add3A_410 = arith.addi %mul3A_174, %add3A_409 : i32
            %add3A_411 = vector.broadcast %add3A_410 : i32 to vector<16xi32>
            %add3A_412 = arith.addi %iota3A_408, %add3A_411 : vector<16xi32>
            %eq3A_413 = vector.broadcast %scan3A_9#0 : i32 to vector<16xi32>
            %eq3A_414 = arith.cmpi eq, %get3A_407, %eq3A_413 : vector<16xi32>
            %le3A_415 = vector.broadcast %add3A_111 : i32 to vector<16xi32>
            %le3A_416 = arith.cmpi sle, %add3A_412, %le3A_415 : vector<16xi32>
            %and3A_417 = arith.andi %eq3A_414, %le3A_416 : vector<16xi1>
            %jit3A_418 = arith.constant 1 : i32
            %jit3A_419 = arith.constant 0 : i32
            %broadcast_in_dim3A_420 = vector.broadcast %jit3A_418 : i32 to vector<16xi32>
            %broadcast_in_dim3A_421 = vector.broadcast %jit3A_419 : i32 to vector<16xi32>
            %select_n3A_422 = arith.select %and3A_417, %broadcast_in_dim3A_420, %broadcast_in_dim3A_421 : vector<16xi1>, vector<16xi32>
            %add3A_423 = arith.addi %add3A_402, %select_n3A_422 : vector<16xi32>
            %add3A_424 = arith.constant 192 : i32
            %add3A_425 = arith.addi %mul3A_174, %add3A_424 : i32
            %get3A_426 = arith.index_cast %add3A_425 : i32 to index
            %get3A_427 = tpu.vector_load %arg4[%get3A_426] {strides = array<i32>} : memref<4096xi32, #tpu.memory_space<vmem>>, vector<16xi32>,
            %get3A_428 = vector.shape_cast %get3A_427 : vector<16xi32> to vector<16xi32>
            %iota3A_429 = tpu.iota {dimensions = array<i32: 0>} : vector<16xi32>
            %add3A_430 = arith.constant 192 : i32
            %add3A_431 = arith.addi %mul3A_174, %add3A_430 : i32
            %add3A_432 = vector.broadcast %add3A_431 : i32 to vector<16xi32>
            %add3A_433 = arith.addi %iota3A_429, %add3A_432 : vector<16xi32>
            %eq3A_434 = vector.broadcast %scan3A_9#0 : i32 to vector<16xi32>
            %eq3A_435 = arith.cmpi eq, %get3A_428, %eq3A_434 : vector<16xi32>
            %le3A_436 = vector.broadcast %add3A_111 : i32 to vector<16xi32>
            %le3A_437 = arith.cmpi sle, %add3A_433, %le3A_436 : vector<16xi32>
            %and3A_438 = arith.andi %eq3A_435, %le3A_437 : vector<16xi1>
            %jit3A_439 = arith.constant 1 : i32
            %jit3A_440 = arith.constant 0 : i32
            %broadcast_in_dim3A_441 = vector.broadcast %jit3A_439 : i32 to vector<16xi32>
            %broadcast_in_dim3A_442 = vector.broadcast %jit3A_440 : i32 to vector<16xi32>
            %select_n3A_443 = arith.select %and3A_438, %broadcast_in_dim3A_441, %broadcast_in_dim3A_442 : vector<16xi1>, vector<16xi32>
            %add3A_444 = arith.addi %add3A_423, %select_n3A_443 : vector<16xi32>
            %add3A_445 = arith.constant 208 : i32
            %add3A_446 = arith.addi %mul3A_174, %add3A_445 : i32
            %get3A_447 = arith.index_cast %add3A_446 : i32 to index
            %get3A_448 = tpu.vector_load %arg4[%get3A_447] {strides = array<i32>} : memref<4096xi32, #tpu.memory_space<vmem>>, vector<16xi32>,
            %get3A_449 = vector.shape_cast %get3A_448 : vector<16xi32> to vector<16xi32>
            %iota3A_450 = tpu.iota {dimensions = array<i32: 0>} : vector<16xi32>
            %add3A_451 = arith.constant 208 : i32
            %add3A_452 = arith.addi %mul3A_174, %add3A_451 : i32
            %add3A_453 = vector.broadcast %add3A_452 : i32 to vector<16xi32>
            %add3A_454 = arith.addi %iota3A_450, %add3A_453 : vector<16xi32>
            %eq3A_455 = vector.broadcast %scan3A_9#0 : i32 to vector<16xi32>
            %eq3A_456 = arith.cmpi eq, %get3A_449, %eq3A_455 : vector<16xi32>
            %le3A_457 = vector.broadcast %add3A_111 : i32 to vector<16xi32>
            %le3A_458 = arith.cmpi sle, %add3A_454, %le3A_457 : vector<16xi32>
            %and3A_459 = arith.andi %eq3A_456, %le3A_458 : vector<16xi1>
            %jit3A_460 = arith.constant 1 : i32
            %jit3A_461 = arith.constant 0 : i32
            %broadcast_in_dim3A_462 = vector.broadcast %jit3A_460 : i32 to vector<16xi32>
            %broadcast_in_dim3A_463 = vector.broadcast %jit3A_461 : i32 to vector<16xi32>
            %select_n3A_464 = arith.select %and3A_459, %broadcast_in_dim3A_462, %broadcast_in_dim3A_463 : vector<16xi1>, vector<16xi32>
            %add3A_465 = arith.addi %add3A_444, %select_n3A_464 : vector<16xi32>
            %add3A_466 = arith.constant 224 : i32
            %add3A_467 = arith.addi %mul3A_174, %add3A_466 : i32
            %get3A_468 = arith.index_cast %add3A_467 : i32 to index
            %get3A_469 = tpu.vector_load %arg4[%get3A_468] {strides = array<i32>} : memref<4096xi32, #tpu.memory_space<vmem>>, vector<16xi32>,
            %get3A_470 = vector.shape_cast %get3A_469 : vector<16xi32> to vector<16xi32>
            %iota3A_471 = tpu.iota {dimensions = array<i32: 0>} : vector<16xi32>
            %add3A_472 = arith.constant 224 : i32
            %add3A_473 = arith.addi %mul3A_174, %add3A_472 : i32
            %add3A_474 = vector.broadcast %add3A_473 : i32 to vector<16xi32>
            %add3A_475 = arith.addi %iota3A_471, %add3A_474 : vector<16xi32>
            %eq3A_476 = vector.broadcast %scan3A_9#0 : i32 to vector<16xi32>
            %eq3A_477 = arith.cmpi eq, %get3A_470, %eq3A_476 : vector<16xi32>
            %le3A_478 = vector.broadcast %add3A_111 : i32 to vector<16xi32>
            %le3A_479 = arith.cmpi sle, %add3A_475, %le3A_478 : vector<16xi32>
            %and3A_480 = arith.andi %eq3A_477, %le3A_479 : vector<16xi1>
            %jit3A_481 = arith.constant 1 : i32
            %jit3A_482 = arith.constant 0 : i32
            %broadcast_in_dim3A_483 = vector.broadcast %jit3A_481 : i32 to vector<16xi32>
            %broadcast_in_dim3A_484 = vector.broadcast %jit3A_482 : i32 to vector<16xi32>
            %select_n3A_485 = arith.select %and3A_480, %broadcast_in_dim3A_483, %broadcast_in_dim3A_484 : vector<16xi1>, vector<16xi32>
            %add3A_486 = arith.addi %add3A_465, %select_n3A_485 : vector<16xi32>
            %add3A_487 = arith.constant 240 : i32
            %add3A_488 = arith.addi %mul3A_174, %add3A_487 : i32
            %get3A_489 = arith.index_cast %add3A_488 : i32 to index
            %get3A_490 = tpu.vector_load %arg4[%get3A_489] {strides = array<i32>} : memref<4096xi32, #tpu.memory_space<vmem>>, vector<16xi32>,
            %get3A_491 = vector.shape_cast %get3A_490 : vector<16xi32> to vector<16xi32>
            %iota3A_492 = tpu.iota {dimensions = array<i32: 0>} : vector<16xi32>
            %add3A_493 = arith.constant 240 : i32
            %add3A_494 = arith.addi %mul3A_174, %add3A_493 : i32
            %add3A_495 = vector.broadcast %add3A_494 : i32 to vector<16xi32>
            %add3A_496 = arith.addi %iota3A_492, %add3A_495 : vector<16xi32>
            %eq3A_497 = vector.broadcast %scan3A_9#0 : i32 to vector<16xi32>
            %eq3A_498 = arith.cmpi eq, %get3A_491, %eq3A_497 : vector<16xi32>
            %le3A_499 = vector.broadcast %add3A_111 : i32 to vector<16xi32>
            %le3A_500 = arith.cmpi sle, %add3A_496, %le3A_499 : vector<16xi32>
            %and3A_501 = arith.andi %eq3A_498, %le3A_500 : vector<16xi1>
            %jit3A_502 = arith.constant 1 : i32
            %jit3A_503 = arith.constant 0 : i32
            %broadcast_in_dim3A_504 = vector.broadcast %jit3A_502 : i32 to vector<16xi32>
            %broadcast_in_dim3A_505 = vector.broadcast %jit3A_503 : i32 to vector<16xi32>
            %select_n3A_506 = arith.select %and3A_501, %broadcast_in_dim3A_504, %broadcast_in_dim3A_505 : vector<16xi1>, vector<16xi32>
            %add3A_507 = arith.addi %add3A_486, %select_n3A_506 : vector<16xi32>
            scf.yield %add3A_507 : vector<16xi32>
          }
          %scan3A_119 = arith.constant 16 : i32
          %slice3A_120 = vector.extract_strided_slice %scan3A_118 {offsets = [0], sizes = [1], strides = [1]} : vector<16xi32> to vector<1xi32>
          %squeeze3A_121 = vector.extract %slice3A_120[0] : i32 from vector<1xi32>
          %add3A_122 = arith.constant 0 : i32
          %add3A_123 = arith.addi %add3A_122, %squeeze3A_121 : i32
          %slice3A_124 = vector.extract_strided_slice %scan3A_118 {offsets = [1], sizes = [1], strides = [1]} : vector<16xi32> to vector<1xi32>
          %squeeze3A_125 = vector.extract %slice3A_124[0] : i32 from vector<1xi32>
          %add3A_126 = arith.addi %add3A_123, %squeeze3A_125 : i32
          %slice3A_127 = vector.extract_strided_slice %scan3A_118 {offsets = [2], sizes = [1], strides = [1]} : vector<16xi32> to vector<1xi32>
          %squeeze3A_128 = vector.extract %slice3A_127[0] : i32 from vector<1xi32>
          %add3A_129 = arith.addi %add3A_126, %squeeze3A_128 : i32
          %slice3A_130 = vector.extract_strided_slice %scan3A_118 {offsets = [3], sizes = [1], strides = [1]} : vector<16xi32> to vector<1xi32>
          %squeeze3A_131 = vector.extract %slice3A_130[0] : i32 from vector<1xi32>
          %add3A_132 = arith.addi %add3A_129, %squeeze3A_131 : i32
          %slice3A_133 = vector.extract_strided_slice %scan3A_118 {offsets = [4], sizes = [1], strides = [1]} : vector<16xi32> to vector<1xi32>
          %squeeze3A_134 = vector.extract %slice3A_133[0] : i32 from vector<1xi32>
          %add3A_135 = arith.addi %add3A_132, %squeeze3A_134 : i32
          %slice3A_136 = vector.extract_strided_slice %scan3A_118 {offsets = [5], sizes = [1], strides = [1]} : vector<16xi32> to vector<1xi32>
          %squeeze3A_137 = vector.extract %slice3A_136[0] : i32 from vector<1xi32>
          %add3A_138 = arith.addi %add3A_135, %squeeze3A_137 : i32
          %slice3A_139 = vector.extract_strided_slice %scan3A_118 {offsets = [6], sizes = [1], strides = [1]} : vector<16xi32> to vector<1xi32>
          %squeeze3A_140 = vector.extract %slice3A_139[0] : i32 from vector<1xi32>
          %add3A_141 = arith.addi %add3A_138, %squeeze3A_140 : i32
          %slice3A_142 = vector.extract_strided_slice %scan3A_118 {offsets = [7], sizes = [1], strides = [1]} : vector<16xi32> to vector<1xi32>
          %squeeze3A_143 = vector.extract %slice3A_142[0] : i32 from vector<1xi32>
          %add3A_144 = arith.addi %add3A_141, %squeeze3A_143 : i32
          %slice3A_145 = vector.extract_strided_slice %scan3A_118 {offsets = [8], sizes = [1], strides = [1]} : vector<16xi32> to vector<1xi32>
          %squeeze3A_146 = vector.extract %slice3A_145[0] : i32 from vector<1xi32>
          %add3A_147 = arith.addi %add3A_144, %squeeze3A_146 : i32
          %slice3A_148 = vector.extract_strided_slice %scan3A_118 {offsets = [9], sizes = [1], strides = [1]} : vector<16xi32> to vector<1xi32>
          %squeeze3A_149 = vector.extract %slice3A_148[0] : i32 from vector<1xi32>
          %add3A_150 = arith.addi %add3A_147, %squeeze3A_149 : i32
          %slice3A_151 = vector.extract_strided_slice %scan3A_118 {offsets = [10], sizes = [1], strides = [1]} : vector<16xi32> to vector<1xi32>
          %squeeze3A_152 = vector.extract %slice3A_151[0] : i32 from vector<1xi32>
          %add3A_153 = arith.addi %add3A_150, %squeeze3A_152 : i32
          %slice3A_154 = vector.extract_strided_slice %scan3A_118 {offsets = [11], sizes = [1], strides = [1]} : vector<16xi32> to vector<1xi32>
          %squeeze3A_155 = vector.extract %slice3A_154[0] : i32 from vector<1xi32>
          %add3A_156 = arith.addi %add3A_153, %squeeze3A_155 : i32
          %slice3A_157 = vector.extract_strided_slice %scan3A_118 {offsets = [12], sizes = [1], strides = [1]} : vector<16xi32> to vector<1xi32>
          %squeeze3A_158 = vector.extract %slice3A_157[0] : i32 from vector<1xi32>
          %add3A_159 = arith.addi %add3A_156, %squeeze3A_158 : i32
          %slice3A_160 = vector.extract_strided_slice %scan3A_118 {offsets = [13], sizes = [1], strides = [1]} : vector<16xi32> to vector<1xi32>
          %squeeze3A_161 = vector.extract %slice3A_160[0] : i32 from vector<1xi32>
          %add3A_162 = arith.addi %add3A_159, %squeeze3A_161 : i32
          %slice3A_163 = vector.extract_strided_slice %scan3A_118 {offsets = [14], sizes = [1], strides = [1]} : vector<16xi32> to vector<1xi32>
          %squeeze3A_164 = vector.extract %slice3A_163[0] : i32 from vector<1xi32>
          %add3A_165 = arith.addi %add3A_162, %squeeze3A_164 : i32
          %slice3A_166 = vector.extract_strided_slice %scan3A_118 {offsets = [15], sizes = [1], strides = [1]} : vector<16xi32> to vector<1xi32>
          %squeeze3A_167 = vector.extract %slice3A_166[0] : i32 from vector<1xi32>
          %add3A_168 = arith.addi %add3A_165, %squeeze3A_167 : i32
          %ge3A = arith.cmpi sge, %add3A_168, %sub3A_79 : i32
          %select_n3A_169 = arith.select %ge3A, %scan3A_89, %add3A_111 : i32
          %select_n3A_170 = arith.select %ge3A, %add3A_111, %scan3A_90 : i32
          scf.yield %select_n3A_169, %select_n3A_170 : i32, i32
        }
        %scan3A_87 = arith.constant 13 : i32
        scf.yield %scan3A_86#1 : i32
      }
      %scan3A_16 = arith.constant 0 : i32
      %scan3A_17 = arith.constant 0 : i32
      %scan3A_18 = arith.constant 16 : i32
      %scan3A_19 = arith.addi %scan3A_17, %scan3A_18 : i32
      %scan3A_20 = arith.constant 1 : i32
      %scan3A_21 = scf.for %scan3A_23 = %scan3A_17 to %scan3A_19 step %scan3A_20 iter_args(%scan3A_24 = %scan3A_16) -> (i32)  : i32 {
        %mul3A_25 = arith.constant 256 : i32
        %mul3A_26 = arith.muli %scan3A_23, %mul3A_25 : i32
        %add3A_27 = arith.constant 0 : i32
        %add3A_28 = arith.addi %mul3A_26, %add3A_27 : i32
        %get3A = arith.index_cast %add3A_28 : i32 to index
        %get3A_29 = tpu.vector_load %arg4[%get3A] {strides = array<i32>} : memref<4096xi32, #tpu.memory_space<vmem>>, vector<16xi32>,
        %get3A_30 = vector.shape_cast %get3A_29 : vector<16xi32> to vector<16xi32>
        %iota3A = tpu.iota {dimensions = array<i32: 0>} : vector<16xi32>
        %add3A_31 = arith.constant 0 : i32
        %add3A_32 = arith.addi %mul3A_26, %add3A_31 : i32
        %add3A_33 = vector.broadcast %add3A_32 : i32 to vector<16xi32>
        %add3A_34 = arith.addi %iota3A, %add3A_33 : vector<16xi32>
        %lt3A_35 = vector.broadcast %scan3A_9#0 : i32 to vector<16xi32>
        %lt3A_36 = arith.cmpi slt, %get3A_30, %lt3A_35 : vector<16xi32>
        %eq3A_37 = vector.broadcast %scan3A_9#0 : i32 to vector<16xi32>
        %eq3A_38 = arith.cmpi eq, %get3A_30, %eq3A_37 : vector<16xi32>
        %le3A = vector.broadcast %cond3A_15 : i32 to vector<16xi32>
        %le3A_39 = arith.cmpi sle, %add3A_34, %le3A : vector<16xi32>
        %and3A = arith.andi %eq3A_38, %le3A_39 : vector<16xi1>
        %or3A = arith.ori %lt3A_36, %and3A : vector<16xi1>
        %jit3A = arith.constant 0.000000e+00 : f32
        %jit3A_40 = arith.constant 1.250000e+00 : f32
        %broadcast_in_dim3A = vector.broadcast %jit3A : f32 to vector<16xf32>
        %broadcast_in_dim3A_41 = vector.broadcast %jit3A_40 : f32 to vector<16xf32>
        %select_n3A = arith.select %or3A, %broadcast_in_dim3A, %broadcast_in_dim3A_41 : vector<16xi1>, vector<16xf32>
        %add3A_42 = arith.constant 0 : i32
        %add3A_43 = arith.addi %mul3A_26, %add3A_42 : i32
        %swap3A = arith.index_cast %add3A_43 : i32 to index
        %swap3A_44 = tpu.vector_load %arg5[%swap3A] {strides = array<i32>} : memref<4096xf32, #tpu.memory_space<vmem>>, vector<16xf32>,
        %swap3A_45 = vector.shape_cast %swap3A_44 : vector<16xf32> to vector<16xf32>
        %swap3A_46 = vector.shape_cast %select_n3A : vector<16xf32> to vector<16xf32>
        tpu.vector_store %arg5[%swap3A], %swap3A_46 {strides = array<i32>} : memref<4096xf32, #tpu.memory_space<vmem>>, vector<16xf32>,
        %add3A_47 = arith.constant 16 : i32
        %add3A_48 = arith.addi %mul3A_26, %add3A_47 : i32
        %get3A_49 = arith.index_cast %add3A_48 : i32 to index
        %get3A_50 = tpu.vector_load %arg4[%get3A_49] {strides = array<i32>} : memref<4096xi32, #tpu.memory_space<vmem>>, vector<16xi32>,
        %get3A_51 = vector.shape_cast %get3A_50 : vector<16xi32> to vector<16xi32>
        %iota3A_52 = tpu.iota {dimensions = array<i32: 0>} : vector<16xi32>
        %add3A_53 = arith.constant 16 : i32
        %add3A_54 = arith.addi %mul3A_26, %add3A_53 : i32
        %add3A_55 = vector.broadcast %add3A_54 : i32 to vector<16xi32>
        %add3A_56 = arith.addi %iota3A_52, %add3A_55 : vector<16xi32>
        %lt3A_57 = vector.broadcast %scan3A_9#0 : i32 to vector<16xi32>
        %lt3A_58 = arith.cmpi slt, %get3A_51, %lt3A_57 : vector<16xi32>
        %eq3A_59 = vector.broadcast %scan3A_9#0 : i32 to vector<16xi32>
        %eq3A_60 = arith.cmpi eq, %get3A_51, %eq3A_59 : vector<16xi32>
        %le3A_61 = vector.broadcast %cond3A_15 : i32 to vector<16xi32>
        %le3A_62 = arith.cmpi sle, %add3A_56, %le3A_61 : vector<16xi32>
        %and3A_63 = arith.andi %eq3A_60, %le3A_62 : vector<16xi1>
        %or3A_64 = arith.ori %lt3A_58, %and3A_63 : vector<16xi1>
        %jit3A_65 = arith.constant 0.000000e+00 : f32
        %jit3A_66 = arith.constant 1.250000e+00 : f32
        %broadcast_in_dim3A_67 = vector.broadcast %jit3A_65 : f32 to vector<16xf32>
        %broadcast_in_dim3A_68 = vector.broadcast %jit3A_66 : f32 to vector<16xf32>
        %select_n3A_69 = arith.select %or3A_64, %broadcast_in_dim3A_67, %broadcast_in_dim3A_68 : vector<16xi1>, vector<16xf32>
        %add3A_70 = arith.constant 16 : i32
        %add3A_71 = arith.addi %mul3A_26, %add3A_70 : i32
        %swap3A_72 = arith.index_cast %add3A_71 : i32 to index
        %swap3A_73 = tpu.vector_load %arg5[%swap3A_72] {strides = array<i32>} : memref<4096xf32, #tpu.memory_space<vmem>>, vector<16xf32>,
        %swap3A_74 = vector.shape_cast %swap3A_73 : vector<16xf32> to vector<16xf32>
        %swap3A_75 = vector.shape_cast %select_n3A_69 : vector<16xf32> to vector<16xf32>
        tpu.vector_store %arg5[%swap3A_72], %swap3A_75 {strides = array<i32>} : memref<4096xf32, #tpu.memory_space<vmem>>, vector<16xf32>,
        %add3A_76 = arith.constant 32 : i32
        %add3A_77 = arith.addi %mul3A_26, %add3A_76 : i32
        %get3A_78 = arith.index_cast %add3A_77 : i32 to index
        %get3A_79 = tpu.vector_load %arg4[%get3A_78] {strides = array<i32>} : memref<4096xi32, #tpu.memory_space<vmem>>, vector<16xi32>,
        %get3A_80 = vector.shape_cast %get3A_79 : vector<16xi32> to vector<16xi32>
        %iota3A_81 = tpu.iota {dimensions = array<i32: 0>} : vector<16xi32>
        %add3A_82 = arith.constant 32 : i32
        %add3A_83 = arith.addi %mul3A_26, %add3A_82 : i32
        %add3A_84 = vector.broadcast %add3A_83 : i32 to vector<16xi32>
        %add3A_85 = arith.addi %iota3A_81, %add3A_84 : vector<16xi32>
        %lt3A_86 = vector.broadcast %scan3A_9#0 : i32 to vector<16xi32>
        %lt3A_87 = arith.cmpi slt, %get3A_80, %lt3A_86 : vector<16xi32>
        %eq3A_88 = vector.broadcast %scan3A_9#0 : i32 to vector<16xi32>
        %eq3A_89 = arith.cmpi eq, %get3A_80, %eq3A_88 : vector<16xi32>
        %le3A_90 = vector.broadcast %cond3A_15 : i32 to vector<16xi32>
        %le3A_91 = arith.cmpi sle, %add3A_85, %le3A_90 : vector<16xi32>
        %and3A_92 = arith.andi %eq3A_89, %le3A_91 : vector<16xi1>
        %or3A_93 = arith.ori %lt3A_87, %and3A_92 : vector<16xi1>
        %jit3A_94 = arith.constant 0.000000e+00 : f32
        %jit3A_95 = arith.constant 1.250000e+00 : f32
        %broadcast_in_dim3A_96 = vector.broadcast %jit3A_94 : f32 to vector<16xf32>
        %broadcast_in_dim3A_97 = vector.broadcast %jit3A_95 : f32 to vector<16xf32>
        %select_n3A_98 = arith.select %or3A_93, %broadcast_in_dim3A_96, %broadcast_in_dim3A_97 : vector<16xi1>, vector<16xf32>
        %add3A_99 = arith.constant 32 : i32
        %add3A_100 = arith.addi %mul3A_26, %add3A_99 : i32
        %swap3A_101 = arith.index_cast %add3A_100 : i32 to index
        %swap3A_102 = tpu.vector_load %arg5[%swap3A_101] {strides = array<i32>} : memref<4096xf32, #tpu.memory_space<vmem>>, vector<16xf32>,
        %swap3A_103 = vector.shape_cast %swap3A_102 : vector<16xf32> to vector<16xf32>
        %swap3A_104 = vector.shape_cast %select_n3A_98 : vector<16xf32> to vector<16xf32>
        tpu.vector_store %arg5[%swap3A_101], %swap3A_104 {strides = array<i32>} : memref<4096xf32, #tpu.memory_space<vmem>>, vector<16xf32>,
        %add3A_105 = arith.constant 48 : i32
        %add3A_106 = arith.addi %mul3A_26, %add3A_105 : i32
        %get3A_107 = arith.index_cast %add3A_106 : i32 to index
        %get3A_108 = tpu.vector_load %arg4[%get3A_107] {strides = array<i32>} : memref<4096xi32, #tpu.memory_space<vmem>>, vector<16xi32>,
        %get3A_109 = vector.shape_cast %get3A_108 : vector<16xi32> to vector<16xi32>
        %iota3A_110 = tpu.iota {dimensions = array<i32: 0>} : vector<16xi32>
        %add3A_111 = arith.constant 48 : i32
        %add3A_112 = arith.addi %mul3A_26, %add3A_111 : i32
        %add3A_113 = vector.broadcast %add3A_112 : i32 to vector<16xi32>
        %add3A_114 = arith.addi %iota3A_110, %add3A_113 : vector<16xi32>
        %lt3A_115 = vector.broadcast %scan3A_9#0 : i32 to vector<16xi32>
        %lt3A_116 = arith.cmpi slt, %get3A_109, %lt3A_115 : vector<16xi32>
        %eq3A_117 = vector.broadcast %scan3A_9#0 : i32 to vector<16xi32>
        %eq3A_118 = arith.cmpi eq, %get3A_109, %eq3A_117 : vector<16xi32>
        %le3A_119 = vector.broadcast %cond3A_15 : i32 to vector<16xi32>
        %le3A_120 = arith.cmpi sle, %add3A_114, %le3A_119 : vector<16xi32>
        %and3A_121 = arith.andi %eq3A_118, %le3A_120 : vector<16xi1>
        %or3A_122 = arith.ori %lt3A_116, %and3A_121 : vector<16xi1>
        %jit3A_123 = arith.constant 0.000000e+00 : f32
        %jit3A_124 = arith.constant 1.250000e+00 : f32
        %broadcast_in_dim3A_125 = vector.broadcast %jit3A_123 : f32 to vector<16xf32>
        %broadcast_in_dim3A_126 = vector.broadcast %jit3A_124 : f32 to vector<16xf32>
        %select_n3A_127 = arith.select %or3A_122, %broadcast_in_dim3A_125, %broadcast_in_dim3A_126 : vector<16xi1>, vector<16xf32>
        %add3A_128 = arith.constant 48 : i32
        %add3A_129 = arith.addi %mul3A_26, %add3A_128 : i32
        %swap3A_130 = arith.index_cast %add3A_129 : i32 to index
        %swap3A_131 = tpu.vector_load %arg5[%swap3A_130] {strides = array<i32>} : memref<4096xf32, #tpu.memory_space<vmem>>, vector<16xf32>,
        %swap3A_132 = vector.shape_cast %swap3A_131 : vector<16xf32> to vector<16xf32>
        %swap3A_133 = vector.shape_cast %select_n3A_127 : vector<16xf32> to vector<16xf32>
        tpu.vector_store %arg5[%swap3A_130], %swap3A_133 {strides = array<i32>} : memref<4096xf32, #tpu.memory_space<vmem>>, vector<16xf32>,
        %add3A_134 = arith.constant 64 : i32
        %add3A_135 = arith.addi %mul3A_26, %add3A_134 : i32
        %get3A_136 = arith.index_cast %add3A_135 : i32 to index
        %get3A_137 = tpu.vector_load %arg4[%get3A_136] {strides = array<i32>} : memref<4096xi32, #tpu.memory_space<vmem>>, vector<16xi32>,
        %get3A_138 = vector.shape_cast %get3A_137 : vector<16xi32> to vector<16xi32>
        %iota3A_139 = tpu.iota {dimensions = array<i32: 0>} : vector<16xi32>
        %add3A_140 = arith.constant 64 : i32
        %add3A_141 = arith.addi %mul3A_26, %add3A_140 : i32
        %add3A_142 = vector.broadcast %add3A_141 : i32 to vector<16xi32>
        %add3A_143 = arith.addi %iota3A_139, %add3A_142 : vector<16xi32>
        %lt3A_144 = vector.broadcast %scan3A_9#0 : i32 to vector<16xi32>
        %lt3A_145 = arith.cmpi slt, %get3A_138, %lt3A_144 : vector<16xi32>
        %eq3A_146 = vector.broadcast %scan3A_9#0 : i32 to vector<16xi32>
        %eq3A_147 = arith.cmpi eq, %get3A_138, %eq3A_146 : vector<16xi32>
        %le3A_148 = vector.broadcast %cond3A_15 : i32 to vector<16xi32>
        %le3A_149 = arith.cmpi sle, %add3A_143, %le3A_148 : vector<16xi32>
        %and3A_150 = arith.andi %eq3A_147, %le3A_149 : vector<16xi1>
        %or3A_151 = arith.ori %lt3A_145, %and3A_150 : vector<16xi1>
        %jit3A_152 = arith.constant 0.000000e+00 : f32
        %jit3A_153 = arith.constant 1.250000e+00 : f32
        %broadcast_in_dim3A_154 = vector.broadcast %jit3A_152 : f32 to vector<16xf32>
        %broadcast_in_dim3A_155 = vector.broadcast %jit3A_153 : f32 to vector<16xf32>
        %select_n3A_156 = arith.select %or3A_151, %broadcast_in_dim3A_154, %broadcast_in_dim3A_155 : vector<16xi1>, vector<16xf32>
        %add3A_157 = arith.constant 64 : i32
        %add3A_158 = arith.addi %mul3A_26, %add3A_157 : i32
        %swap3A_159 = arith.index_cast %add3A_158 : i32 to index
        %swap3A_160 = tpu.vector_load %arg5[%swap3A_159] {strides = array<i32>} : memref<4096xf32, #tpu.memory_space<vmem>>, vector<16xf32>,
        %swap3A_161 = vector.shape_cast %swap3A_160 : vector<16xf32> to vector<16xf32>
        %swap3A_162 = vector.shape_cast %select_n3A_156 : vector<16xf32> to vector<16xf32>
        tpu.vector_store %arg5[%swap3A_159], %swap3A_162 {strides = array<i32>} : memref<4096xf32, #tpu.memory_space<vmem>>, vector<16xf32>,
        %add3A_163 = arith.constant 80 : i32
        %add3A_164 = arith.addi %mul3A_26, %add3A_163 : i32
        %get3A_165 = arith.index_cast %add3A_164 : i32 to index
        %get3A_166 = tpu.vector_load %arg4[%get3A_165] {strides = array<i32>} : memref<4096xi32, #tpu.memory_space<vmem>>, vector<16xi32>,
        %get3A_167 = vector.shape_cast %get3A_166 : vector<16xi32> to vector<16xi32>
        %iota3A_168 = tpu.iota {dimensions = array<i32: 0>} : vector<16xi32>
        %add3A_169 = arith.constant 80 : i32
        %add3A_170 = arith.addi %mul3A_26, %add3A_169 : i32
        %add3A_171 = vector.broadcast %add3A_170 : i32 to vector<16xi32>
        %add3A_172 = arith.addi %iota3A_168, %add3A_171 : vector<16xi32>
        %lt3A_173 = vector.broadcast %scan3A_9#0 : i32 to vector<16xi32>
        %lt3A_174 = arith.cmpi slt, %get3A_167, %lt3A_173 : vector<16xi32>
        %eq3A_175 = vector.broadcast %scan3A_9#0 : i32 to vector<16xi32>
        %eq3A_176 = arith.cmpi eq, %get3A_167, %eq3A_175 : vector<16xi32>
        %le3A_177 = vector.broadcast %cond3A_15 : i32 to vector<16xi32>
        %le3A_178 = arith.cmpi sle, %add3A_172, %le3A_177 : vector<16xi32>
        %and3A_179 = arith.andi %eq3A_176, %le3A_178 : vector<16xi1>
        %or3A_180 = arith.ori %lt3A_174, %and3A_179 : vector<16xi1>
        %jit3A_181 = arith.constant 0.000000e+00 : f32
        %jit3A_182 = arith.constant 1.250000e+00 : f32
        %broadcast_in_dim3A_183 = vector.broadcast %jit3A_181 : f32 to vector<16xf32>
        %broadcast_in_dim3A_184 = vector.broadcast %jit3A_182 : f32 to vector<16xf32>
        %select_n3A_185 = arith.select %or3A_180, %broadcast_in_dim3A_183, %broadcast_in_dim3A_184 : vector<16xi1>, vector<16xf32>
        %add3A_186 = arith.constant 80 : i32
        %add3A_187 = arith.addi %mul3A_26, %add3A_186 : i32
        %swap3A_188 = arith.index_cast %add3A_187 : i32 to index
        %swap3A_189 = tpu.vector_load %arg5[%swap3A_188] {strides = array<i32>} : memref<4096xf32, #tpu.memory_space<vmem>>, vector<16xf32>,
        %swap3A_190 = vector.shape_cast %swap3A_189 : vector<16xf32> to vector<16xf32>
        %swap3A_191 = vector.shape_cast %select_n3A_185 : vector<16xf32> to vector<16xf32>
        tpu.vector_store %arg5[%swap3A_188], %swap3A_191 {strides = array<i32>} : memref<4096xf32, #tpu.memory_space<vmem>>, vector<16xf32>,
        %add3A_192 = arith.constant 96 : i32
        %add3A_193 = arith.addi %mul3A_26, %add3A_192 : i32
        %get3A_194 = arith.index_cast %add3A_193 : i32 to index
        %get3A_195 = tpu.vector_load %arg4[%get3A_194] {strides = array<i32>} : memref<4096xi32, #tpu.memory_space<vmem>>, vector<16xi32>,
        %get3A_196 = vector.shape_cast %get3A_195 : vector<16xi32> to vector<16xi32>
        %iota3A_197 = tpu.iota {dimensions = array<i32: 0>} : vector<16xi32>
        %add3A_198 = arith.constant 96 : i32
        %add3A_199 = arith.addi %mul3A_26, %add3A_198 : i32
        %add3A_200 = vector.broadcast %add3A_199 : i32 to vector<16xi32>
        %add3A_201 = arith.addi %iota3A_197, %add3A_200 : vector<16xi32>
        %lt3A_202 = vector.broadcast %scan3A_9#0 : i32 to vector<16xi32>
        %lt3A_203 = arith.cmpi slt, %get3A_196, %lt3A_202 : vector<16xi32>
        %eq3A_204 = vector.broadcast %scan3A_9#0 : i32 to vector<16xi32>
        %eq3A_205 = arith.cmpi eq, %get3A_196, %eq3A_204 : vector<16xi32>
        %le3A_206 = vector.broadcast %cond3A_15 : i32 to vector<16xi32>
        %le3A_207 = arith.cmpi sle, %add3A_201, %le3A_206 : vector<16xi32>
        %and3A_208 = arith.andi %eq3A_205, %le3A_207 : vector<16xi1>
        %or3A_209 = arith.ori %lt3A_203, %and3A_208 : vector<16xi1>
        %jit3A_210 = arith.constant 0.000000e+00 : f32
        %jit3A_211 = arith.constant 1.250000e+00 : f32
        %broadcast_in_dim3A_212 = vector.broadcast %jit3A_210 : f32 to vector<16xf32>
        %broadcast_in_dim3A_213 = vector.broadcast %jit3A_211 : f32 to vector<16xf32>
        %select_n3A_214 = arith.select %or3A_209, %broadcast_in_dim3A_212, %broadcast_in_dim3A_213 : vector<16xi1>, vector<16xf32>
        %add3A_215 = arith.constant 96 : i32
        %add3A_216 = arith.addi %mul3A_26, %add3A_215 : i32
        %swap3A_217 = arith.index_cast %add3A_216 : i32 to index
        %swap3A_218 = tpu.vector_load %arg5[%swap3A_217] {strides = array<i32>} : memref<4096xf32, #tpu.memory_space<vmem>>, vector<16xf32>,
        %swap3A_219 = vector.shape_cast %swap3A_218 : vector<16xf32> to vector<16xf32>
        %swap3A_220 = vector.shape_cast %select_n3A_214 : vector<16xf32> to vector<16xf32>
        tpu.vector_store %arg5[%swap3A_217], %swap3A_220 {strides = array<i32>} : memref<4096xf32, #tpu.memory_space<vmem>>, vector<16xf32>,
        %add3A_221 = arith.constant 112 : i32
        %add3A_222 = arith.addi %mul3A_26, %add3A_221 : i32
        %get3A_223 = arith.index_cast %add3A_222 : i32 to index
        %get3A_224 = tpu.vector_load %arg4[%get3A_223] {strides = array<i32>} : memref<4096xi32, #tpu.memory_space<vmem>>, vector<16xi32>,
        %get3A_225 = vector.shape_cast %get3A_224 : vector<16xi32> to vector<16xi32>
        %iota3A_226 = tpu.iota {dimensions = array<i32: 0>} : vector<16xi32>
        %add3A_227 = arith.constant 112 : i32
        %add3A_228 = arith.addi %mul3A_26, %add3A_227 : i32
        %add3A_229 = vector.broadcast %add3A_228 : i32 to vector<16xi32>
        %add3A_230 = arith.addi %iota3A_226, %add3A_229 : vector<16xi32>
        %lt3A_231 = vector.broadcast %scan3A_9#0 : i32 to vector<16xi32>
        %lt3A_232 = arith.cmpi slt, %get3A_225, %lt3A_231 : vector<16xi32>
        %eq3A_233 = vector.broadcast %scan3A_9#0 : i32 to vector<16xi32>
        %eq3A_234 = arith.cmpi eq, %get3A_225, %eq3A_233 : vector<16xi32>
        %le3A_235 = vector.broadcast %cond3A_15 : i32 to vector<16xi32>
        %le3A_236 = arith.cmpi sle, %add3A_230, %le3A_235 : vector<16xi32>
        %and3A_237 = arith.andi %eq3A_234, %le3A_236 : vector<16xi1>
        %or3A_238 = arith.ori %lt3A_232, %and3A_237 : vector<16xi1>
        %jit3A_239 = arith.constant 0.000000e+00 : f32
        %jit3A_240 = arith.constant 1.250000e+00 : f32
        %broadcast_in_dim3A_241 = vector.broadcast %jit3A_239 : f32 to vector<16xf32>
        %broadcast_in_dim3A_242 = vector.broadcast %jit3A_240 : f32 to vector<16xf32>
        %select_n3A_243 = arith.select %or3A_238, %broadcast_in_dim3A_241, %broadcast_in_dim3A_242 : vector<16xi1>, vector<16xf32>
        %add3A_244 = arith.constant 112 : i32
        %add3A_245 = arith.addi %mul3A_26, %add3A_244 : i32
        %swap3A_246 = arith.index_cast %add3A_245 : i32 to index
        %swap3A_247 = tpu.vector_load %arg5[%swap3A_246] {strides = array<i32>} : memref<4096xf32, #tpu.memory_space<vmem>>, vector<16xf32>,
        %swap3A_248 = vector.shape_cast %swap3A_247 : vector<16xf32> to vector<16xf32>
        %swap3A_249 = vector.shape_cast %select_n3A_243 : vector<16xf32> to vector<16xf32>
        tpu.vector_store %arg5[%swap3A_246], %swap3A_249 {strides = array<i32>} : memref<4096xf32, #tpu.memory_space<vmem>>, vector<16xf32>,
        %add3A_250 = arith.constant 128 : i32
        %add3A_251 = arith.addi %mul3A_26, %add3A_250 : i32
        %get3A_252 = arith.index_cast %add3A_251 : i32 to index
        %get3A_253 = tpu.vector_load %arg4[%get3A_252] {strides = array<i32>} : memref<4096xi32, #tpu.memory_space<vmem>>, vector<16xi32>,
        %get3A_254 = vector.shape_cast %get3A_253 : vector<16xi32> to vector<16xi32>
        %iota3A_255 = tpu.iota {dimensions = array<i32: 0>} : vector<16xi32>
        %add3A_256 = arith.constant 128 : i32
        %add3A_257 = arith.addi %mul3A_26, %add3A_256 : i32
        %add3A_258 = vector.broadcast %add3A_257 : i32 to vector<16xi32>
        %add3A_259 = arith.addi %iota3A_255, %add3A_258 : vector<16xi32>
        %lt3A_260 = vector.broadcast %scan3A_9#0 : i32 to vector<16xi32>
        %lt3A_261 = arith.cmpi slt, %get3A_254, %lt3A_260 : vector<16xi32>
        %eq3A_262 = vector.broadcast %scan3A_9#0 : i32 to vector<16xi32>
        %eq3A_263 = arith.cmpi eq, %get3A_254, %eq3A_262 : vector<16xi32>
        %le3A_264 = vector.broadcast %cond3A_15 : i32 to vector<16xi32>
        %le3A_265 = arith.cmpi sle, %add3A_259, %le3A_264 : vector<16xi32>
        %and3A_266 = arith.andi %eq3A_263, %le3A_265 : vector<16xi1>
        %or3A_267 = arith.ori %lt3A_261, %and3A_266 : vector<16xi1>
        %jit3A_268 = arith.constant 0.000000e+00 : f32
        %jit3A_269 = arith.constant 1.250000e+00 : f32
        %broadcast_in_dim3A_270 = vector.broadcast %jit3A_268 : f32 to vector<16xf32>
        %broadcast_in_dim3A_271 = vector.broadcast %jit3A_269 : f32 to vector<16xf32>
        %select_n3A_272 = arith.select %or3A_267, %broadcast_in_dim3A_270, %broadcast_in_dim3A_271 : vector<16xi1>, vector<16xf32>
        %add3A_273 = arith.constant 128 : i32
        %add3A_274 = arith.addi %mul3A_26, %add3A_273 : i32
        %swap3A_275 = arith.index_cast %add3A_274 : i32 to index
        %swap3A_276 = tpu.vector_load %arg5[%swap3A_275] {strides = array<i32>} : memref<4096xf32, #tpu.memory_space<vmem>>, vector<16xf32>,
        %swap3A_277 = vector.shape_cast %swap3A_276 : vector<16xf32> to vector<16xf32>
        %swap3A_278 = vector.shape_cast %select_n3A_272 : vector<16xf32> to vector<16xf32>
        tpu.vector_store %arg5[%swap3A_275], %swap3A_278 {strides = array<i32>} : memref<4096xf32, #tpu.memory_space<vmem>>, vector<16xf32>,
        %add3A_279 = arith.constant 144 : i32
        %add3A_280 = arith.addi %mul3A_26, %add3A_279 : i32
        %get3A_281 = arith.index_cast %add3A_280 : i32 to index
        %get3A_282 = tpu.vector_load %arg4[%get3A_281] {strides = array<i32>} : memref<4096xi32, #tpu.memory_space<vmem>>, vector<16xi32>,
        %get3A_283 = vector.shape_cast %get3A_282 : vector<16xi32> to vector<16xi32>
        %iota3A_284 = tpu.iota {dimensions = array<i32: 0>} : vector<16xi32>
        %add3A_285 = arith.constant 144 : i32
        %add3A_286 = arith.addi %mul3A_26, %add3A_285 : i32
        %add3A_287 = vector.broadcast %add3A_286 : i32 to vector<16xi32>
        %add3A_288 = arith.addi %iota3A_284, %add3A_287 : vector<16xi32>
        %lt3A_289 = vector.broadcast %scan3A_9#0 : i32 to vector<16xi32>
        %lt3A_290 = arith.cmpi slt, %get3A_283, %lt3A_289 : vector<16xi32>
        %eq3A_291 = vector.broadcast %scan3A_9#0 : i32 to vector<16xi32>
        %eq3A_292 = arith.cmpi eq, %get3A_283, %eq3A_291 : vector<16xi32>
        %le3A_293 = vector.broadcast %cond3A_15 : i32 to vector<16xi32>
        %le3A_294 = arith.cmpi sle, %add3A_288, %le3A_293 : vector<16xi32>
        %and3A_295 = arith.andi %eq3A_292, %le3A_294 : vector<16xi1>
        %or3A_296 = arith.ori %lt3A_290, %and3A_295 : vector<16xi1>
        %jit3A_297 = arith.constant 0.000000e+00 : f32
        %jit3A_298 = arith.constant 1.250000e+00 : f32
        %broadcast_in_dim3A_299 = vector.broadcast %jit3A_297 : f32 to vector<16xf32>
        %broadcast_in_dim3A_300 = vector.broadcast %jit3A_298 : f32 to vector<16xf32>
        %select_n3A_301 = arith.select %or3A_296, %broadcast_in_dim3A_299, %broadcast_in_dim3A_300 : vector<16xi1>, vector<16xf32>
        %add3A_302 = arith.constant 144 : i32
        %add3A_303 = arith.addi %mul3A_26, %add3A_302 : i32
        %swap3A_304 = arith.index_cast %add3A_303 : i32 to index
        %swap3A_305 = tpu.vector_load %arg5[%swap3A_304] {strides = array<i32>} : memref<4096xf32, #tpu.memory_space<vmem>>, vector<16xf32>,
        %swap3A_306 = vector.shape_cast %swap3A_305 : vector<16xf32> to vector<16xf32>
        %swap3A_307 = vector.shape_cast %select_n3A_301 : vector<16xf32> to vector<16xf32>
        tpu.vector_store %arg5[%swap3A_304], %swap3A_307 {strides = array<i32>} : memref<4096xf32, #tpu.memory_space<vmem>>, vector<16xf32>,
        %add3A_308 = arith.constant 160 : i32
        %add3A_309 = arith.addi %mul3A_26, %add3A_308 : i32
        %get3A_310 = arith.index_cast %add3A_309 : i32 to index
        %get3A_311 = tpu.vector_load %arg4[%get3A_310] {strides = array<i32>} : memref<4096xi32, #tpu.memory_space<vmem>>, vector<16xi32>,
        %get3A_312 = vector.shape_cast %get3A_311 : vector<16xi32> to vector<16xi32>
        %iota3A_313 = tpu.iota {dimensions = array<i32: 0>} : vector<16xi32>
        %add3A_314 = arith.constant 160 : i32
        %add3A_315 = arith.addi %mul3A_26, %add3A_314 : i32
        %add3A_316 = vector.broadcast %add3A_315 : i32 to vector<16xi32>
        %add3A_317 = arith.addi %iota3A_313, %add3A_316 : vector<16xi32>
        %lt3A_318 = vector.broadcast %scan3A_9#0 : i32 to vector<16xi32>
        %lt3A_319 = arith.cmpi slt, %get3A_312, %lt3A_318 : vector<16xi32>
        %eq3A_320 = vector.broadcast %scan3A_9#0 : i32 to vector<16xi32>
        %eq3A_321 = arith.cmpi eq, %get3A_312, %eq3A_320 : vector<16xi32>
        %le3A_322 = vector.broadcast %cond3A_15 : i32 to vector<16xi32>
        %le3A_323 = arith.cmpi sle, %add3A_317, %le3A_322 : vector<16xi32>
        %and3A_324 = arith.andi %eq3A_321, %le3A_323 : vector<16xi1>
        %or3A_325 = arith.ori %lt3A_319, %and3A_324 : vector<16xi1>
        %jit3A_326 = arith.constant 0.000000e+00 : f32
        %jit3A_327 = arith.constant 1.250000e+00 : f32
        %broadcast_in_dim3A_328 = vector.broadcast %jit3A_326 : f32 to vector<16xf32>
        %broadcast_in_dim3A_329 = vector.broadcast %jit3A_327 : f32 to vector<16xf32>
        %select_n3A_330 = arith.select %or3A_325, %broadcast_in_dim3A_328, %broadcast_in_dim3A_329 : vector<16xi1>, vector<16xf32>
        %add3A_331 = arith.constant 160 : i32
        %add3A_332 = arith.addi %mul3A_26, %add3A_331 : i32
        %swap3A_333 = arith.index_cast %add3A_332 : i32 to index
        %swap3A_334 = tpu.vector_load %arg5[%swap3A_333] {strides = array<i32>} : memref<4096xf32, #tpu.memory_space<vmem>>, vector<16xf32>,
        %swap3A_335 = vector.shape_cast %swap3A_334 : vector<16xf32> to vector<16xf32>
        %swap3A_336 = vector.shape_cast %select_n3A_330 : vector<16xf32> to vector<16xf32>
        tpu.vector_store %arg5[%swap3A_333], %swap3A_336 {strides = array<i32>} : memref<4096xf32, #tpu.memory_space<vmem>>, vector<16xf32>,
        %add3A_337 = arith.constant 176 : i32
        %add3A_338 = arith.addi %mul3A_26, %add3A_337 : i32
        %get3A_339 = arith.index_cast %add3A_338 : i32 to index
        %get3A_340 = tpu.vector_load %arg4[%get3A_339] {strides = array<i32>} : memref<4096xi32, #tpu.memory_space<vmem>>, vector<16xi32>,
        %get3A_341 = vector.shape_cast %get3A_340 : vector<16xi32> to vector<16xi32>
        %iota3A_342 = tpu.iota {dimensions = array<i32: 0>} : vector<16xi32>
        %add3A_343 = arith.constant 176 : i32
        %add3A_344 = arith.addi %mul3A_26, %add3A_343 : i32
        %add3A_345 = vector.broadcast %add3A_344 : i32 to vector<16xi32>
        %add3A_346 = arith.addi %iota3A_342, %add3A_345 : vector<16xi32>
        %lt3A_347 = vector.broadcast %scan3A_9#0 : i32 to vector<16xi32>
        %lt3A_348 = arith.cmpi slt, %get3A_341, %lt3A_347 : vector<16xi32>
        %eq3A_349 = vector.broadcast %scan3A_9#0 : i32 to vector<16xi32>
        %eq3A_350 = arith.cmpi eq, %get3A_341, %eq3A_349 : vector<16xi32>
        %le3A_351 = vector.broadcast %cond3A_15 : i32 to vector<16xi32>
        %le3A_352 = arith.cmpi sle, %add3A_346, %le3A_351 : vector<16xi32>
        %and3A_353 = arith.andi %eq3A_350, %le3A_352 : vector<16xi1>
        %or3A_354 = arith.ori %lt3A_348, %and3A_353 : vector<16xi1>
        %jit3A_355 = arith.constant 0.000000e+00 : f32
        %jit3A_356 = arith.constant 1.250000e+00 : f32
        %broadcast_in_dim3A_357 = vector.broadcast %jit3A_355 : f32 to vector<16xf32>
        %broadcast_in_dim3A_358 = vector.broadcast %jit3A_356 : f32 to vector<16xf32>
        %select_n3A_359 = arith.select %or3A_354, %broadcast_in_dim3A_357, %broadcast_in_dim3A_358 : vector<16xi1>, vector<16xf32>
        %add3A_360 = arith.constant 176 : i32
        %add3A_361 = arith.addi %mul3A_26, %add3A_360 : i32
        %swap3A_362 = arith.index_cast %add3A_361 : i32 to index
        %swap3A_363 = tpu.vector_load %arg5[%swap3A_362] {strides = array<i32>} : memref<4096xf32, #tpu.memory_space<vmem>>, vector<16xf32>,
        %swap3A_364 = vector.shape_cast %swap3A_363 : vector<16xf32> to vector<16xf32>
        %swap3A_365 = vector.shape_cast %select_n3A_359 : vector<16xf32> to vector<16xf32>
        tpu.vector_store %arg5[%swap3A_362], %swap3A_365 {strides = array<i32>} : memref<4096xf32, #tpu.memory_space<vmem>>, vector<16xf32>,
        %add3A_366 = arith.constant 192 : i32
        %add3A_367 = arith.addi %mul3A_26, %add3A_366 : i32
        %get3A_368 = arith.index_cast %add3A_367 : i32 to index
        %get3A_369 = tpu.vector_load %arg4[%get3A_368] {strides = array<i32>} : memref<4096xi32, #tpu.memory_space<vmem>>, vector<16xi32>,
        %get3A_370 = vector.shape_cast %get3A_369 : vector<16xi32> to vector<16xi32>
        %iota3A_371 = tpu.iota {dimensions = array<i32: 0>} : vector<16xi32>
        %add3A_372 = arith.constant 192 : i32
        %add3A_373 = arith.addi %mul3A_26, %add3A_372 : i32
        %add3A_374 = vector.broadcast %add3A_373 : i32 to vector<16xi32>
        %add3A_375 = arith.addi %iota3A_371, %add3A_374 : vector<16xi32>
        %lt3A_376 = vector.broadcast %scan3A_9#0 : i32 to vector<16xi32>
        %lt3A_377 = arith.cmpi slt, %get3A_370, %lt3A_376 : vector<16xi32>
        %eq3A_378 = vector.broadcast %scan3A_9#0 : i32 to vector<16xi32>
        %eq3A_379 = arith.cmpi eq, %get3A_370, %eq3A_378 : vector<16xi32>
        %le3A_380 = vector.broadcast %cond3A_15 : i32 to vector<16xi32>
        %le3A_381 = arith.cmpi sle, %add3A_375, %le3A_380 : vector<16xi32>
        %and3A_382 = arith.andi %eq3A_379, %le3A_381 : vector<16xi1>
        %or3A_383 = arith.ori %lt3A_377, %and3A_382 : vector<16xi1>
        %jit3A_384 = arith.constant 0.000000e+00 : f32
        %jit3A_385 = arith.constant 1.250000e+00 : f32
        %broadcast_in_dim3A_386 = vector.broadcast %jit3A_384 : f32 to vector<16xf32>
        %broadcast_in_dim3A_387 = vector.broadcast %jit3A_385 : f32 to vector<16xf32>
        %select_n3A_388 = arith.select %or3A_383, %broadcast_in_dim3A_386, %broadcast_in_dim3A_387 : vector<16xi1>, vector<16xf32>
        %add3A_389 = arith.constant 192 : i32
        %add3A_390 = arith.addi %mul3A_26, %add3A_389 : i32
        %swap3A_391 = arith.index_cast %add3A_390 : i32 to index
        %swap3A_392 = tpu.vector_load %arg5[%swap3A_391] {strides = array<i32>} : memref<4096xf32, #tpu.memory_space<vmem>>, vector<16xf32>,
        %swap3A_393 = vector.shape_cast %swap3A_392 : vector<16xf32> to vector<16xf32>
        %swap3A_394 = vector.shape_cast %select_n3A_388 : vector<16xf32> to vector<16xf32>
        tpu.vector_store %arg5[%swap3A_391], %swap3A_394 {strides = array<i32>} : memref<4096xf32, #tpu.memory_space<vmem>>, vector<16xf32>,
        %add3A_395 = arith.constant 208 : i32
        %add3A_396 = arith.addi %mul3A_26, %add3A_395 : i32
        %get3A_397 = arith.index_cast %add3A_396 : i32 to index
        %get3A_398 = tpu.vector_load %arg4[%get3A_397] {strides = array<i32>} : memref<4096xi32, #tpu.memory_space<vmem>>, vector<16xi32>,
        %get3A_399 = vector.shape_cast %get3A_398 : vector<16xi32> to vector<16xi32>
        %iota3A_400 = tpu.iota {dimensions = array<i32: 0>} : vector<16xi32>
        %add3A_401 = arith.constant 208 : i32
        %add3A_402 = arith.addi %mul3A_26, %add3A_401 : i32
        %add3A_403 = vector.broadcast %add3A_402 : i32 to vector<16xi32>
        %add3A_404 = arith.addi %iota3A_400, %add3A_403 : vector<16xi32>
        %lt3A_405 = vector.broadcast %scan3A_9#0 : i32 to vector<16xi32>
        %lt3A_406 = arith.cmpi slt, %get3A_399, %lt3A_405 : vector<16xi32>
        %eq3A_407 = vector.broadcast %scan3A_9#0 : i32 to vector<16xi32>
        %eq3A_408 = arith.cmpi eq, %get3A_399, %eq3A_407 : vector<16xi32>
        %le3A_409 = vector.broadcast %cond3A_15 : i32 to vector<16xi32>
        %le3A_410 = arith.cmpi sle, %add3A_404, %le3A_409 : vector<16xi32>
        %and3A_411 = arith.andi %eq3A_408, %le3A_410 : vector<16xi1>
        %or3A_412 = arith.ori %lt3A_406, %and3A_411 : vector<16xi1>
        %jit3A_413 = arith.constant 0.000000e+00 : f32
        %jit3A_414 = arith.constant 1.250000e+00 : f32
        %broadcast_in_dim3A_415 = vector.broadcast %jit3A_413 : f32 to vector<16xf32>
        %broadcast_in_dim3A_416 = vector.broadcast %jit3A_414 : f32 to vector<16xf32>
        %select_n3A_417 = arith.select %or3A_412, %broadcast_in_dim3A_415, %broadcast_in_dim3A_416 : vector<16xi1>, vector<16xf32>
        %add3A_418 = arith.constant 208 : i32
        %add3A_419 = arith.addi %mul3A_26, %add3A_418 : i32
        %swap3A_420 = arith.index_cast %add3A_419 : i32 to index
        %swap3A_421 = tpu.vector_load %arg5[%swap3A_420] {strides = array<i32>} : memref<4096xf32, #tpu.memory_space<vmem>>, vector<16xf32>,
        %swap3A_422 = vector.shape_cast %swap3A_421 : vector<16xf32> to vector<16xf32>
        %swap3A_423 = vector.shape_cast %select_n3A_417 : vector<16xf32> to vector<16xf32>
        tpu.vector_store %arg5[%swap3A_420], %swap3A_423 {strides = array<i32>} : memref<4096xf32, #tpu.memory_space<vmem>>, vector<16xf32>,
        %add3A_424 = arith.constant 224 : i32
        %add3A_425 = arith.addi %mul3A_26, %add3A_424 : i32
        %get3A_426 = arith.index_cast %add3A_425 : i32 to index
        %get3A_427 = tpu.vector_load %arg4[%get3A_426] {strides = array<i32>} : memref<4096xi32, #tpu.memory_space<vmem>>, vector<16xi32>,
        %get3A_428 = vector.shape_cast %get3A_427 : vector<16xi32> to vector<16xi32>
        %iota3A_429 = tpu.iota {dimensions = array<i32: 0>} : vector<16xi32>
        %add3A_430 = arith.constant 224 : i32
        %add3A_431 = arith.addi %mul3A_26, %add3A_430 : i32
        %add3A_432 = vector.broadcast %add3A_431 : i32 to vector<16xi32>
        %add3A_433 = arith.addi %iota3A_429, %add3A_432 : vector<16xi32>
        %lt3A_434 = vector.broadcast %scan3A_9#0 : i32 to vector<16xi32>
        %lt3A_435 = arith.cmpi slt, %get3A_428, %lt3A_434 : vector<16xi32>
        %eq3A_436 = vector.broadcast %scan3A_9#0 : i32 to vector<16xi32>
        %eq3A_437 = arith.cmpi eq, %get3A_428, %eq3A_436 : vector<16xi32>
        %le3A_438 = vector.broadcast %cond3A_15 : i32 to vector<16xi32>
        %le3A_439 = arith.cmpi sle, %add3A_433, %le3A_438 : vector<16xi32>
        %and3A_440 = arith.andi %eq3A_437, %le3A_439 : vector<16xi1>
        %or3A_441 = arith.ori %lt3A_435, %and3A_440 : vector<16xi1>
        %jit3A_442 = arith.constant 0.000000e+00 : f32
        %jit3A_443 = arith.constant 1.250000e+00 : f32
        %broadcast_in_dim3A_444 = vector.broadcast %jit3A_442 : f32 to vector<16xf32>
        %broadcast_in_dim3A_445 = vector.broadcast %jit3A_443 : f32 to vector<16xf32>
        %select_n3A_446 = arith.select %or3A_441, %broadcast_in_dim3A_444, %broadcast_in_dim3A_445 : vector<16xi1>, vector<16xf32>
        %add3A_447 = arith.constant 224 : i32
        %add3A_448 = arith.addi %mul3A_26, %add3A_447 : i32
        %swap3A_449 = arith.index_cast %add3A_448 : i32 to index
        %swap3A_450 = tpu.vector_load %arg5[%swap3A_449] {strides = array<i32>} : memref<4096xf32, #tpu.memory_space<vmem>>, vector<16xf32>,
        %swap3A_451 = vector.shape_cast %swap3A_450 : vector<16xf32> to vector<16xf32>
        %swap3A_452 = vector.shape_cast %select_n3A_446 : vector<16xf32> to vector<16xf32>
        tpu.vector_store %arg5[%swap3A_449], %swap3A_452 {strides = array<i32>} : memref<4096xf32, #tpu.memory_space<vmem>>, vector<16xf32>,
        %add3A_453 = arith.constant 240 : i32
        %add3A_454 = arith.addi %mul3A_26, %add3A_453 : i32
        %get3A_455 = arith.index_cast %add3A_454 : i32 to index
        %get3A_456 = tpu.vector_load %arg4[%get3A_455] {strides = array<i32>} : memref<4096xi32, #tpu.memory_space<vmem>>, vector<16xi32>,
        %get3A_457 = vector.shape_cast %get3A_456 : vector<16xi32> to vector<16xi32>
        %iota3A_458 = tpu.iota {dimensions = array<i32: 0>} : vector<16xi32>
        %add3A_459 = arith.constant 240 : i32
        %add3A_460 = arith.addi %mul3A_26, %add3A_459 : i32
        %add3A_461 = vector.broadcast %add3A_460 : i32 to vector<16xi32>
        %add3A_462 = arith.addi %iota3A_458, %add3A_461 : vector<16xi32>
        %lt3A_463 = vector.broadcast %scan3A_9#0 : i32 to vector<16xi32>
        %lt3A_464 = arith.cmpi slt, %get3A_457, %lt3A_463 : vector<16xi32>
        %eq3A_465 = vector.broadcast %scan3A_9#0 : i32 to vector<16xi32>
        %eq3A_466 = arith.cmpi eq, %get3A_457, %eq3A_465 : vector<16xi32>
        %le3A_467 = vector.broadcast %cond3A_15 : i32 to vector<16xi32>
        %le3A_468 = arith.cmpi sle, %add3A_462, %le3A_467 : vector<16xi32>
        %and3A_469 = arith.andi %eq3A_466, %le3A_468 : vector<16xi1>
        %or3A_470 = arith.ori %lt3A_464, %and3A_469 : vector<16xi1>
        %jit3A_471 = arith.constant 0.000000e+00 : f32
        %jit3A_472 = arith.constant 1.250000e+00 : f32
        %broadcast_in_dim3A_473 = vector.broadcast %jit3A_471 : f32 to vector<16xf32>
        %broadcast_in_dim3A_474 = vector.broadcast %jit3A_472 : f32 to vector<16xf32>
        %select_n3A_475 = arith.select %or3A_470, %broadcast_in_dim3A_473, %broadcast_in_dim3A_474 : vector<16xi1>, vector<16xf32>
        %add3A_476 = arith.constant 240 : i32
        %add3A_477 = arith.addi %mul3A_26, %add3A_476 : i32
        %swap3A_478 = arith.index_cast %add3A_477 : i32 to index
        %swap3A_479 = tpu.vector_load %arg5[%swap3A_478] {strides = array<i32>} : memref<4096xf32, #tpu.memory_space<vmem>>, vector<16xf32>,
        %swap3A_480 = vector.shape_cast %swap3A_479 : vector<16xf32> to vector<16xf32>
        %swap3A_481 = vector.shape_cast %select_n3A_475 : vector<16xf32> to vector<16xf32>
        tpu.vector_store %arg5[%swap3A_478], %swap3A_481 {strides = array<i32>} : memref<4096xf32, #tpu.memory_space<vmem>>, vector<16xf32>,
        %scan3A_482 = arith.constant 0 : i32
        scf.yield %scan3A_482 : i32
      }
      %scan3A_22 = arith.constant 16 : i32
      %run_scoped3A = arith.constant 0 : i32
      "tpu.region"() ({
        %run_scoped3A_23 = tpu.sem_alloc : memref<!tpu.dma_semaphore, #tpu.memory_space<semaphore_mem>>
        %dma_start3A = arith.constant 0 : i32
        %dma_start3A_24 = tpu.memref_slice %arg3[%add3A, %run_scoped3A, %dma_start3A] : memref<4x1x4096xf32, #tpu.memory_space<hbm>> -> memref<1x1x4096xf32, #tpu.memory_space<hbm>>
        %dma_start3A_25 = tpu.memref_squeeze %dma_start3A_24 : memref<1x1x4096xf32, #tpu.memory_space<hbm>> -> memref<4096xf32, #tpu.memory_space<hbm>>
        %dma_start3A_26 = arith.constant 0 : i32
        %dma_start3A_27 = tpu.memref_slice %arg3[%add3A, %run_scoped3A, %dma_start3A_26] : memref<4x1x4096xf32, #tpu.memory_space<hbm>> -> memref<1x1x4096xf32, #tpu.memory_space<hbm>>
        %dma_start3A_28 = tpu.memref_squeeze %dma_start3A_27 : memref<1x1x4096xf32, #tpu.memory_space<hbm>> -> memref<4096xf32, #tpu.memory_space<hbm>>
        tpu.enqueue_dma source(%arg5 : memref<4096xf32, #tpu.memory_space<vmem>>) target(%dma_start3A_28 : memref<4096xf32, #tpu.memory_space<hbm>>) target_semaphore(%run_scoped3A_23 : memref<!tpu.dma_semaphore, #tpu.memory_space<semaphore_mem>>)
        %dma_wait3A = arith.constant 0 : i32
        %dma_wait3A_29 = tpu.memref_slice %arg3[%add3A, %run_scoped3A, %dma_wait3A] : memref<4x1x4096xf32, #tpu.memory_space<hbm>> -> memref<1x1x4096xf32, #tpu.memory_space<hbm>>
        %dma_wait3A_30 = tpu.memref_squeeze %dma_wait3A_29 : memref<1x1x4096xf32, #tpu.memory_space<hbm>> -> memref<4096xf32, #tpu.memory_space<hbm>>
        %dma_wait3A_31 = arith.constant 0 : i32
        %dma_wait3A_32 = tpu.memref_slice %arg3[%add3A, %run_scoped3A, %dma_wait3A_31] : memref<4x1x4096xf32, #tpu.memory_space<hbm>> -> memref<1x1x4096xf32, #tpu.memory_space<hbm>>
        %dma_wait3A_33 = tpu.memref_squeeze %dma_wait3A_32 : memref<1x1x4096xf32, #tpu.memory_space<hbm>> -> memref<4096xf32, #tpu.memory_space<hbm>>
        tpu.wait_dma2 semaphore(%run_scoped3A_23 : memref<!tpu.dma_semaphore, #tpu.memory_space<semaphore_mem>>) src(%arg5 : memref<4096xf32, #tpu.memory_space<vmem>>) dst(%dma_wait3A_33 : memref<4096xf32, #tpu.memory_space<hbm>>)
        tpu.yield
      }) : () -> ()
    } else {
    }
    return
  }
}

module attributes {stable_mosaic.version = 14 : i64} {
  func.func @_mul_kernel(%arg0: i32, %arg1: i32, %arg2: memref<1x1024x2048xf32, #tpu.memory_space<vmem>>, %arg3: memref<1x1x4096xf32, #tpu.memory_space<vmem>>, %arg4: memref<1x1024x2048xf32, #tpu.memory_space<vmem>>) attributes {dimension_semantics = [#tpu.dimension_semantics<arbitrary>, #tpu.dimension_semantics<arbitrary>], iteration_bounds = array<i64: 4, 4>, scalar_prefetch = 0 : i64, scratch_operands = 0 : i64, tpu.core_type = #tpu.core_type<tc>, window_params = [{transform_indices = @transform_0, window_bounds = array<i64: 1, 1024, 2048>}, {transform_indices = @transform_1, window_bounds = array<i64: 1, 1, 4096>}, {transform_indices = @transform_2, window_bounds = array<i64: 1, 1024, 2048>}]} {
    %mul3A = arith.constant 1024 : i32
    %mul3A_0 = arith.muli %arg1, %mul3A : i32
    %get3A = arith.constant 0 : index
    %get3A_1 = arith.constant 0 : index
    %get3A_2 = arith.index_cast %mul3A_0 : i32 to index
    %get3A_3 = vector.load %arg3[%get3A, %get3A_1, %get3A_2] : memref<1x1x4096xf32, #tpu.memory_space<vmem>>, vector<1x1x1024xf32>
    %get3A_4 = vector.shape_cast %get3A_3 : vector<1x1x1024xf32> to vector<1024xf32>
    %get3A_5 = arith.constant 0 : index
    %get3A_6 = arith.constant 0 : index
    %get3A_7 = arith.constant 0 : index
    %get3A_8 = vector.load %arg2[%get3A_5, %get3A_6, %get3A_7] : memref<1x1024x2048xf32, #tpu.memory_space<vmem>>, vector<1x1024x2048xf32>
    %get3A_9 = vector.shape_cast %get3A_8 : vector<1x1024x2048xf32> to vector<1024x2048xf32>
    %broadcast_in_dim3A = vector.shape_cast %get3A_4 : vector<1024xf32> to vector<1024x1xf32>
    %mul3A_10 = vector.broadcast %broadcast_in_dim3A : vector<1024x1xf32> to vector<1024x2048xf32>
    %mul3A_11 = arith.mulf %get3A_9, %mul3A_10 : vector<1024x2048xf32>
    %swap3A = arith.constant 0 : index
    %swap3A_12 = arith.constant 0 : index
    %swap3A_13 = arith.constant 0 : index
    %swap3A_14 = vector.load %arg4[%swap3A, %swap3A_12, %swap3A_13] : memref<1x1024x2048xf32, #tpu.memory_space<vmem>>, vector<1x1024x2048xf32>
    %swap3A_15 = vector.shape_cast %swap3A_14 : vector<1x1024x2048xf32> to vector<1024x2048xf32>
    %swap3A_16 = vector.shape_cast %mul3A_11 : vector<1024x2048xf32> to vector<1x1024x2048xf32>
    tpu.vector_store %arg4[%swap3A, %swap3A_12, %swap3A_13], %swap3A_16 {strides = array<i32>} : memref<1x1024x2048xf32, #tpu.memory_space<vmem>>, vector<1x1024x2048xf32>,
    return
  }
  func.func @transform_0(%arg0: i32, %arg1: i32) -> (i32, i32, i32) {
    %c0_i32 = arith.constant 0 : i32
    %c0_i32_0 = arith.constant 0 : i32
    return %arg0, %arg1, %c0_i32 : i32, i32, i32
  }
  func.func @transform_1(%arg0: i32, %arg1: i32) -> (i32, i32, i32) {
    %c0_i32 = arith.constant 0 : i32
    %c0_i32_0 = arith.constant 0 : i32
    %c0_i32_1 = arith.constant 0 : i32
    return %arg0, %c0_i32, %c0_i32_0 : i32, i32, i32
  }
  func.func @transform_2(%arg0: i32, %arg1: i32) -> (i32, i32, i32) {
    %c0_i32 = arith.constant 0 : i32
    %c0_i32_0 = arith.constant 0 : i32
    return %arg0, %arg1, %c0_i32 : i32, i32, i32
  }
}

</mosaic_0001>

<sc_bundles>
// kernel: kernel.4.cloned.1.call-start
scs
__scs_entry_jumppad:
0x0: {  	(pc) =	sbr.rel $0x88, $3  }
0x1: {  	(tag) =	ssettag $0x0;
	lr =	simm.s32 $0x1  }
0x2: {  	[smem:$0x3FA0] =	sst lr;
	_ =	strace $0xD0000000  }
0x3: {  	_ = 	snop  }
0x4: {  	_ = 	snop  }
0x5: {  	_ = 	snop  }
0x6: {  	_ = 	snop  }
0x7: {  	_ = 	snop  }
__scs_overlays_trampoline_lowered:
0x8: {  	[smem:$0x3FAF] =	sst s0  }
0x9: {  	[smem:$0x3FB0] =	sst s1  }
0xa: {  	[smem:$0x3FB1] =	sst s2  }
0xb: {  	[smem:$0x3FB2] =	sst s3  }
0xc: {  	[smem:$0x3FB3] =	sst s4  }
0xd: {  	[smem:$0x3FB4] =	sst s5  }
0xe: {  	[smem:$0x3FB5] =	sst s6  }
0xf: {  	[smem:$0x3FB6] =	sst s7  }
0x10: {  	[smem:$0x3FB7] =	sst s8  }
0x11: {  	[smem:$0x3FB8] =	sst s9;
	s0 =	simm.s32 @!p0 $0x0  }
0x12: {  	s1 =	sld [smem:$0x3F9E];
	s0 =	simm.s32 @p0 $0x1  }
0x13: {  	[smem:$0x3FB9] =	sst s0;
	s0 =	simm.s32 @!p1 $0x0  }
0x14: {  	s2 =	sld [smem:$0x3F9D];
	s0 =	simm.s32 @p1 $0x1  }
0x15: {  	[smem:$0x3FBA] =	sst s0;
	s0 =	simm.s32 @!p2 $0x0  }
0x16: {  	s3 =	sld [smem:$0x3FDB];
	s0 =	simm.s32 @p2 $0x1  }
0x17: {  	s4 =	simm.s32 $0x1BF5;
	[smem:$0x3FBC] =	sst s0  }
0x18: {  	s0 =	sld [smem:$0x3F9F];
	_ =	swait.ge [sflag:s4], $0x0  }
0x19: {  	s7 =	sld [smem:$0x3FA0]  }
0x1a: {  	s8 =	sadd.s32 $0xFFFFE003, lr  }
0x1b: {  	s9 =	sadd.s32 $0xFFFFFEF7, lr;
	s5 =	simm.s32 $0xFFFFFFFF;
	p2 =	slt.u32 s8, $0xFFFFF086  }
0x1c: {  	p1 =	slt.u32 s9, $0xF7A;
	s5 =	simm.s32 @!p2 $0x0  }
0x1d: {  	s5 =	simm.s32 @p1 $0x1;
	p0 =	seq.s32 s7, s2  }
0x1e: {  	s7 =	smul.u32 @!p0 $0xF7A, s2;
	p2 =	seq.s32 @!p0 s5, $0x0  }
0x1f: {  	s9 =	smul.u32 $0xF7A, s1;
	s8 =	simm.s32 @!p0 $0x1BF5;
	p2 =	por !p2, p0  }
0x20: {  	[sflag:s8] =	ssyncset.s32 @!p0 $0xFFFFF086;
	s6 =	sadd.s32 @!p0 s3, s7;
	s7 =	simm.s32 @!p0 $0x108  }
0x21: {  	s3 =	sadd.s32 s3, s9;
	s6 =	sadd.s32 @!p0 $0x88, s6;
	s7 =	simm.s32 @p2 $0x1082  }
0x22: {  	[simem:s7], [sflag:s8] =	dma.local @!p0 [hbm:s6], $0xF7A  }
0x23: {  	s9 =	sor.u32 $0xD0000000, s2;
	s6 =	simm.s32 $0x108;
	_ =	swait.ge @!p0 [sflag:s8], $0x0  }
0x24: {  	s3 =	sadd.s32 $0x88, s3;
	s6 =	simm.s32 @!p1 $0x1082;
	[sflag:s4] =	ssyncset.s32 $0xFFFFF086  }
0x25: {  	[simem:s6], [sflag:s4] =	dma.local [hbm:s3], $0xF7A  }
0x26: {  	[smem:$0x3FA0] =	sst s1;
	(tag) =	ssettag s2;
	_ =	strace s9  }
0x27: {  	s1 =	sld [smem:$0x3FB0]  }
0x28: {  	s2 =	sld [smem:$0x3FB1]  }
0x29: {  	s4 =	sld [smem:$0x3FB3]  }
0x2a: {  	p0 =	seq.s32 s5, $0x0;
	s5 =	sld [smem:$0x3FB4]  }
0x2b: {  	s6 =	sld [smem:$0x3FB5]  }
0x2c: {  	s7 =	sld [smem:$0x3FB6]  }
0x2d: {  	s3 =	simm.s32 $0x108;
	s8 =	sld [smem:$0x3FB7]  }
0x2e: {  	s3 =	simm.s32 @!p0 $0x1082;
	s9 =	sld [smem:$0x3FB8]  }
0x2f: {  	lr =	sadd.s32 s0, s3;
	s0 =	sld [smem:$0x3FAF]  }
0x30: {  	s3 =	sld [smem:$0x3FB2]  }
0x31: {  	[smem:$0x3FBB] =	sst s10  }
0x32: {  	s10 =	sld [smem:$0x3FB9];
	_ =	sdelay $0x3  }
0x33: {  	p0 =	seq.s32 s10, $0x1;
	s10 =	sld [smem:$0x3FBB];
	_ =	sdelay $0x3  }
0x34: {  	[smem:$0x3FBB] =	sst s10  }
0x35: {  	s10 =	sld [smem:$0x3FBA];
	_ =	sdelay $0x3  }
0x36: {  	p1 =	seq.s32 s10, $0x1;
	s10 =	sld [smem:$0x3FBB];
	_ =	sdelay $0x3  }
0x37: {  	[smem:$0x3FBB] =	sst s10  }
0x38: {  	s10 =	sld [smem:$0x3FBC]  }
0x39: {  	_ = 	snop;
	(pc) =	sbr.ind lr, $3  }
0x3a: {  	_ = 	snop  }
0x3b: {  	_ = 	snop  }
0x3c: {  	p2 =	seq.s32 s10, $0x1;
	s10 =	sld [smem:$0x3FBB]  }
0x3d: {  	_ =	shalt  }
0x3e: {  	_ =	shalt  }
0x3f: {  	_ =	shalt  }
0x40: {  	_ =	shalt  }
0x41: {  	_ =	shalt  }
0x42: {  	_ =	shalt  }
0x43: {  	_ =	shalt  }
0x44: {  	_ =	shalt  }
0x45: {  	_ =	shalt  }
0x46: {  	_ =	shalt  }
0x47: {  	_ =	shalt  }
0x48: {  	_ =	shalt  }
0x49: {  	_ =	shalt  }
0x4a: {  	_ =	shalt  }
0x4b: {  	_ =	shalt  }
0x4c: {  	_ =	shalt  }
0x4d: {  	_ =	shalt  }
0x4e: {  	_ =	shalt  }
0x4f: {  	_ =	shalt  }
0x50: {  	_ =	shalt  }
0x51: {  	_ =	shalt  }
0x52: {  	_ =	shalt  }
0x53: {  	_ =	shalt  }
0x54: {  	_ =	shalt  }
0x55: {  	_ =	shalt  }
0x56: {  	_ =	shalt  }
0x57: {  	_ =	shalt  }
0x58: {  	_ =	shalt  }
0x59: {  	_ =	shalt  }
0x5a: {  	_ =	shalt  }
0x5b: {  	_ =	shalt  }
0x5c: {  	_ =	shalt  }
0x5d: {  	_ =	shalt  }
0x5e: {  	_ =	shalt  }
0x5f: {  	_ =	shalt  }
0x60: {  	_ =	shalt  }
0x61: {  	_ =	shalt  }
0x62: {  	_ =	shalt  }
0x63: {  	_ =	shalt  }
0x64: {  	_ =	shalt  }
0x65: {  	_ =	shalt  }
0x66: {  	_ =	shalt  }
0x67: {  	_ =	shalt  }
0x68: {  	_ =	shalt  }
0x69: {  	_ =	shalt  }
0x6a: {  	_ =	shalt  }
0x6b: {  	_ =	shalt  }
0x6c: {  	_ =	shalt  }
0x6d: {  	_ =	shalt  }
0x6e: {  	_ =	shalt  }
0x6f: {  	_ =	shalt  }
0x70: {  	_ =	shalt  }
0x71: {  	_ =	shalt  }
0x72: {  	_ =	shalt  }
0x73: {  	_ =	shalt  }
0x74: {  	_ =	shalt  }
0x75: {  	_ =	shalt  }
0x76: {  	_ =	shalt  }
0x77: {  	_ =	shalt  }
0x78: {  	_ =	shalt  }
0x79: {  	_ =	shalt  }
0x7a: {  	_ =	shalt  }
0x7b: {  	_ =	shalt  }
0x7c: {  	_ =	shalt  }
0x7d: {  	_ =	shalt  }
0x7e: {  	_ =	shalt  }
0x7f: {  	_ =	shalt  }
0x80: {  	_ =	shalt  }
0x81: {  	_ =	shalt  }
0x82: {  	_ =	shalt  }
0x83: {  	_ =	shalt  }
0x84: {  	_ =	shalt  }
0x85: {  	_ =	shalt  }
0x86: {  	_ =	shalt  }
0x87: {  	_ =	shalt  }
.Lfunc_end0:
.L_simem_size_0:
called_computation_lowered:
.L_overlay_start_0:
0x88: {  	s2 =	sld [smem:$0x3FD9]  }
0x89: {  	s3 =	sld [smem:$0x3FFE];
	_ =	sdelay $0x1  }
0x8a: {  	s1 =	srdreg.scid  }
0x8b: {  	s0 =	sand.u32 $0x1, s1  }
0x8c: {  	s17 =	sshll.u32 s0, $0xA;
	s2 =	sadd.s32 s3, s2  }
0x8d: {  	s2 =	sadd.s32 s2, s17  }
0x8e: {  	[smem:$0x3FC7] =	sst s2  }
0x8f: {  	_ = 	snop  }
0x90: {  	s2 =	sld [smem:$0x3FD0];
	(tm) =	ssettm $0x1  }
0x91: {  	s18 =	sld [smem:$0x3FFB];
	_ =	sdelay $0x3  }
0x92: {  	_ =	strace s18  }
0x93: {  	s3 =	sld [smem:$0x3FFC];
	_ =	sdelay $0x3  }
0x94: {  	_ =	strace s3  }
0x95: {  	s3 =	sld [smem:$0x3FFD];
	_ =	sdelay $0x3  }
0x96: {  	_ =	strace s3  }
0x97: {  	_ =	strace $0x8FFFFFFF  }
0x98: {  	s19 =	sld [smem:$0x3FDB];
	_ =	sdelay $0x1  }
0x99: {  	s4 =	simm.s32 $_scs_section_size  }
0x9a: {  	s5 =	simm.s32 $_size__tile_overlayer_lowered;
	s6 =	simm.s32 $_tile_overlayer_lowered  }
0x9b: {  	s22 =	simm.s32 $0x1BFF;
	s21 =	sshll.u32 s6, $0x1;
	s3 =	sadd.s32 s4, s19  }
0x9c: {  	s7 =	simm.s32 $0x0;
	s20 =	sshll.u32 s5, $0x1;
	s5 =	sadd.s32 s21, s3  }
0x9d: {  	[timem:s7], [sflag:s22] =	dma.local [hbm:s5], s20  }
0x9e: {  	_ =	swait.ge [sflag:s22], s20  }
0x9f: {  	s4 =	ssub.s32 $0x0, s20;
	[sflag:s22] =	ssyncset.done $0x0  }
0xa0: {  	[sflag:s22] =	ssyncadd.s32 s4;
	_ =	sdelay $0x1  }
0xa1: {  	s23 =	simm.s32 $0x1B8B  }
0xa2: {  	_ =	swait.ge [sflag:s23], $0x1  }
0xa3: {  	[sflag:s23] =	ssyncset.done $0x0  }
0xa4: {  	s25 =	simm.s32 $0x1B8E;
	s24 =	sld [smem:$0x3FFE];
	[sflag:s23] =	ssyncadd.s32 $0xFFFFFFFF  }
0xa5: {  	s26 =	simm.s32 $execute0_lowered;
	[smem:$0x3FD2] =	sst s25  }
0xa6: {  	s5 =	sshll.u32 s26, $0x1;
	_ =	strace $0x80000046;
	[dreg:$0x1] =	wrdreg $0xFFFFFFFF  }
0xa7: {  	s28 =	simm.s32 $_size_execute0_lowered;
	s3 =	sadd.s32 s3, s5;
	[dreg:$0x0] =	wrdreg $0x0  }
0xa8: {  	s5 =	sshll.u32 s28, $0x1;
	[dreg:$0x2] =	wrdreg s3  }
0xa9: {  	[dreg:$0x3] =	wrdreg s5  }
0xaa: {  	[dreg:$0x4] =	wrdreg $0xC0  }
0xab: {  	_ =	task [dreg:s7], $0x5FFFF  }
0xac: {  	[dreg:$0x1] =	wrdreg $0xFFFFFFFF  }
0xad: {  	[dreg:$0x0] =	wrdreg $0x60  }
0xae: {  	[dreg:$0x2] =	wrdreg s2  }
0xaf: {  	[dreg:$0x3] =	wrdreg s24  }
0xb0: {  	[dreg:$0x4] =	wrdreg $0x9  }
0xb1: {  	_ =	task.clear_ibuf [dreg:s7], $0x5FFFF;
	_ =	strace $0x90000046  }
0xb2: {  	s29 =	simm.s32 $0x9;
	_ =	strace $0x80000048  }
0xb3: {  	_ =	swait.ge [sflag:s29], $0x1  }
0xb4: {  	[sflag:s29] =	ssyncadd.s32 $0xFFFFFFFF  }
0xb5: {  	_ =	strace $0x90000048  }
0xb6: {  	_ =	sfence  }
0xb7: {  	s30 =	sld [smem:$0x0];
	_ =	sdelay $0x2  }
0xb8: {  	s31 =	sshll.u32 s1, $0xD;
	s1 =	sshrl.u32 s1, $0x2  }
0xb9: {  	s3 =	sand.u32 $0x4000, s31;
	s1 =	sadd.s32 s1, s30  }
0xba: {  	s0 =	sor.u32 s3, s0;
	s1 =	sshll.u32 s1, $0x11  }
0xbb: {  	s0 =	sor.u32 s1, s0  }
0xbc: {  	s0 =	sadd.s32 $0x8F2B, s0  }
0xbd: {  	[sflag:s0] =	ssyncadd.remote.s32 $0x1  }
0xbe: {  	_ =	sfence.sel $0xFFFF  }
0xbf: {  	[dreg:$0x0] =	wrdreg $0xFFFFFFFF;
	(pc) =	sbr.abs _section_cstart, $3  }
0xc0: {  	[dreg:$0x1] =	wrdreg $0xFFFFFFFF  }
0xc1: {  	_ =	task.clear_ibuf [dreg:s7], $0x2FFFF;
	_ =	strace $0x9FFFFFFF  }
0xc2: {  	(tm) =	ssettm $0x7FFFFFFF  }
0xc3: {  	_ =	shalt  }
tec
execute0_lowered:
.L_overlay_start_1:
0x0: {  	(tag) =	ssettag $0x1  }
0x1: {  	s1 =	stileid.u32  }
0x2: {  	p0 =	sgt.u32 s1, $0x1  }
.Ltmp0:
0x3: {  	_ = 	snop;
	(pc) =	sbr.rel @p0 .LBB2_17-.Ltmp0, $4  }
0x4: {  	s4 =	rddreg [dreg:$0x0]  }
0x5: {  	s3 =	rddreg [dreg:$0x1];
	s2 =	simm.s32 $0x0  }
0x6: {  	[smem:$0x7FF] =	sst s2  }
0x7: {  	s0 =	rddreg [dreg:$0x2];
	_ =	strace $0x80000047  }
0x8: {  	s5 =	srdreg.scid  }
0x9: {  	s6 =	sshll.u32 s1, $0x1;
	s5 =	sand.u32 $0x1, s5  }
0xa: {  	s8 =	simm.s32 $0x1;
	s9 =	simm.s32 $0x1000;
	s6 =	sor.u32 s5, s6  }
0xb: {  	s10 =	simm.s32 $0x0;
	s5 =	ssub.s32 $0x2, s5;
	s7 =	sshll.u32 s6, $0x9  }
0xc: {  	s31 =	sshrl.u32 s5, $0x1;
	s6 =	sshll.u32 s6, $0x4;
	s3 =	sadd.s32 s7, s3  }
0xd: {  	s5 =	ssub.s32 s5, s31;
	s4 =	sadd.s32 s4, s6;
	s6 =	simm.s32 $0x80  }
0xe: {  	v0 =	vimm.s32 $0x0;
	v1 =	vlaneseq.u32;
	v2 =	vimm.f32 $1.250000000e+00;
	s7 =	simm.s32 $0x200;
	s3 =	sadd.s32 $0x800, s3;
	s5 =	smax.u32 s5, $0x1  }
.LBB2_2:
0xf: {  	s11 =	simm.s32 $0x0  }
0x10: {  	[tilespmem:s11], [sflag:$0x1] =	stream.strided.gather [hbm4b:s4+s6], $0x1000, s7, s6, $0x38;
	[tilespmem:$0x2000] =	vst v63  }
0x11: {  	_ =	swait.ge [sflag:s8], $0x1000  }
0x12: {  	s13 =	simm.s32 $0x3F800000;
	[sflag:s8] =	ssyncset.done $0x0  }
0x13: {  	s12 =	simm.s32 $0x1000;
	s14 =	simm.s32 $0x0;
	[sflag:s8] =	ssyncadd.s32 $0xFFFFF000  }
.LBB2_3:
0x14: {  	s15 =	ssub.s32 s13, s11;
	p0 =	sne.s32 s13, s11;
	s16 =	simm.s32 $0x1  }
0x15: {  	s17 =	sshra.s32 s15, $0x1F;
	s16 =	simm.s32 @!p0 $0x0  }
0x16: {  	s19 =	simm.s32 $0x0;
	s31 =	sand.u32 $0x1, s15;
	s16 =	sor.u32 s16, s17  }
0x17: {  	s18 =	sshrl.u32 s15, $0x1F;
	p1 =	seq.s32 s31, $0x1;
	p6 =	sne.s32 s16, $0x1  }
0x18: {  	v4 =	vld [tilespmem:s19+$0x0];
	s15 =	sadd.s32 s18, s15;
	p0 =	por !p6, !p1  }
0x19: {  	v5 =	vld [tilespmem:s19+$0x10];
	s15 =	sshra.s32 s15, $0x1;
	s16 =	simm.s32 $0x1;
	p0 =	por !p0, !p0  }
0x1a: {  	v6 =	vld [tilespmem:s19+$0x20];
	s15 =	sadd.s32 s11, s15;
	s16 =	simm.s32 @!p0 $0x0  }
0x1b: {  	v7 =	vld [tilespmem:s19+$0x30];
	s15 =	ssub.s32 s15, s16  }
0x1c: {  	v8 =	vld [tilespmem:s19+$0x40];
	v3 =	vmov s15  }
0x1d: {  	vm0 =	vle.s32 v4, v3;
	v4 =	vld [tilespmem:s19+$0x50]  }
0x1e: {  	v9 =	vimm.s32 $0x0;
	v10 =	vsel vm0, $0x1, v0;
	vm0 =	vle.s32 v5, v3;
	v5 =	vld [tilespmem:s19+$0x60]  }
0x1f: {  	v9 =	vadd.s32 v10, v9;
	v10 =	vsel vm0, $0x1, v0;
	vm0 =	vle.s32 v6, v3;
	v6 =	vld [tilespmem:s19+$0x70]  }
0x20: {  	v9 =	vadd.s32 v10, v9;
	v10 =	vsel vm0, $0x1, v0;
	vm0 =	vle.s32 v7, v3;
	v7 =	vld [tilespmem:s19+$0x80]  }
0x21: {  	v9 =	vadd.s32 v10, v9;
	v10 =	vsel vm0, $0x1, v0;
	vm0 =	vle.s32 v8, v3;
	v8 =	vld [tilespmem:s19+$0x90]  }
0x22: {  	v11 =	vld [tilespmem:s19+$0xA0];
	v9 =	vadd.s32 v10, v9;
	v10 =	vsel vm0, $0x1, v0;
	vm0 =	vle.s32 v4, v3  }
0x23: {  	v4 =	vld [tilespmem:s19+$0xB0];
	v9 =	vadd.s32 v10, v9;
	v10 =	vsel vm0, $0x1, v0;
	vm0 =	vle.s32 v5, v3  }
0x24: {  	v5 =	vld [tilespmem:s19+$0xC0];
	v9 =	vadd.s32 v10, v9;
	v10 =	vsel vm0, $0x1, v0;
	vm0 =	vle.s32 v6, v3  }
0x25: {  	v6 =	vld [tilespmem:s19+$0xD0];
	v9 =	vadd.s32 v10, v9;
	v10 =	vsel vm0, $0x1, v0;
	vm0 =	vle.s32 v7, v3  }
0x26: {  	v7 =	vld [tilespmem:s19+$0xE0];
	v9 =	vadd.s32 v10, v9;
	v10 =	vsel vm0, $0x1, v0;
	vm0 =	vle.s32 v8, v3  }
0x27: {  	s17 =	simm.s32 $0x800;
	s16 =	simm.s32 $0x100;
	v8 =	vld [tilespmem:s19+$0xF0];
	v9 =	vadd.s32 v10, v9;
	v10 =	vsel vm0, $0x1, v0;
	vm0 =	vle.s32 v11, v3  }
.LBB2_4:
0x28: {  	p0 =	sne.s32 s17, $0x3C00;
	v11 =	vld [tilespmem:s16+$0x0];
	v9 =	vadd.s32 v10, v9;
	v10 =	vsel vm0, $0x1, v0;
	vm0 =	vle.s32 v4, v3  }
0x29: {  	v4 =	vld [tilespmem:s16+$0x10];
	v9 =	vadd.s32 v10, v9;
	v10 =	vsel vm0, $0x1, v0;
	vm0 =	vle.s32 v5, v3  }
0x2a: {  	v5 =	vld [tilespmem:s16+$0x20];
	v9 =	vadd.s32 v10, v9;
	v10 =	vsel vm0, $0x1, v0;
	vm0 =	vle.s32 v6, v3  }
0x2b: {  	v6 =	vld [tilespmem:s16+$0x30];
	v9 =	vadd.s32 v10, v9;
	v10 =	vsel vm0, $0x1, v0;
	vm0 =	vle.s32 v7, v3  }
0x2c: {  	v7 =	vld [tilespmem:s16+$0x40];
	v9 =	vadd.s32 v10, v9;
	v10 =	vsel vm0, $0x1, v0;
	vm0 =	vle.s32 v8, v3  }
0x2d: {  	vm1 =	vle.s32 v11, v3;
	v8 =	vld [tilespmem:s16+$0x50];
	v9 =	vadd.s32 v10, v9;
	v10 =	vsel vm0, $0x1, v0  }
0x2e: {  	v11 =	vsel vm1, $0x1, v0;
	vm0 =	vle.s32 v4, v3;
	v4 =	vld [tilespmem:s16+$0x60];
	v9 =	vadd.s32 v10, v9  }
0x2f: {  	v9 =	vadd.s32 v11, v9;
	v10 =	vsel vm0, $0x1, v0;
	vm0 =	vle.s32 v5, v3;
	v5 =	vld [tilespmem:s16+$0x70]  }
0x30: {  	v9 =	vadd.s32 v10, v9;
	v10 =	vsel vm0, $0x1, v0;
	vm0 =	vle.s32 v6, v3;
	v6 =	vld [tilespmem:s16+$0x80]  }
0x31: {  	v9 =	vadd.s32 v10, v9;
	v10 =	vsel vm0, $0x1, v0;
	vm0 =	vle.s32 v7, v3;
	v7 =	vld [tilespmem:s16+$0x90]  }
0x32: {  	v9 =	vadd.s32 v10, v9;
	v10 =	vsel vm0, $0x1, v0;
	vm0 =	vle.s32 v8, v3;
	v8 =	vld [tilespmem:s16+$0xA0]  }
.Ltmp1:
0x33: {  	v9 =	vadd.s32 v10, v9;
	v10 =	vsel vm0, $0x1, v0;
	vm0 =	vle.s32 v4, v3;
	v4 =	vld [tilespmem:s16+$0xB0];
	(pc) =	sbr.rel @p0 .LBB2_4-.Ltmp1, $4  }
0x34: {  	v9 =	vadd.s32 v10, v9;
	v10 =	vsel vm0, $0x1, v0;
	vm0 =	vle.s32 v5, v3;
	v5 =	vld [tilespmem:s16+$0xC0]  }
0x35: {  	v9 =	vadd.s32 v10, v9;
	v10 =	vsel vm0, $0x1, v0;
	vm0 =	vle.s32 v6, v3;
	v6 =	vld [tilespmem:s16+$0xD0]  }
0x36: {  	v9 =	vadd.s32 v10, v9;
	v10 =	vsel vm0, $0x1, v0;
	vm0 =	vle.s32 v7, v3;
	v7 =	vld [tilespmem:s16+$0xE0]  }
0x37: {  	v9 =	vadd.s32 v10, v9;
	v10 =	vsel vm0, $0x1, v0;
	vm0 =	vle.s32 v8, v3;
	v8 =	vld [tilespmem:s16+$0xF0];
	s16 =	sshra.s32 s17, $0x2;
	s17 =	sadd.s32 $0x400, s17  }
0x38: {  	v11 =	vld [tilespmem:s16+$0x0];
	v9 =	vadd.s32 v10, v9;
	v28 =	vsel vm0, $0x1, v0;
	vm8 =	vle.s32 v4, v3  }
0x39: {  	v29 =	vld [tilespmem:s16+$0x10];
	v9 =	vadd.s32 v28, v9;
	v30 =	vsel vm8, $0x1, v0;
	vm9 =	vle.s32 v5, v3  }
0x3a: {  	v31 =	vld [tilespmem:s16+$0x20];
	v9 =	vadd.s32 v30, v9;
	v32 =	vsel vm9, $0x1, v0;
	vm10 =	vle.s32 v6, v3  }
0x3b: {  	v33 =	vld [tilespmem:s16+$0x30];
	v9 =	vadd.s32 v32, v9;
	v34 =	vsel vm10, $0x1, v0;
	vm11 =	vle.s32 v7, v3  }
0x3c: {  	v35 =	vld [tilespmem:s16+$0x40];
	v9 =	vadd.s32 v34, v9;
	v36 =	vsel vm11, $0x1, v0;
	vm12 =	vle.s32 v8, v3  }
0x3d: {  	v37 =	vld [tilespmem:s16+$0x50];
	vm1 =	vle.s32 v11, v3;
	v9 =	vadd.s32 v36, v9;
	v38 =	vsel vm12, $0x1, v0  }
0x3e: {  	v39 =	vld [tilespmem:s16+$0x60];
	vm13 =	vle.s32 v29, v3;
	v11 =	vsel vm1, $0x1, v0;
	v9 =	vadd.s32 v38, v9  }
0x3f: {  	v41 =	vld [tilespmem:s16+$0x70];
	vm14 =	vle.s32 v31, v3;
	v40 =	vsel vm13, $0x1, v0;
	v9 =	vadd.s32 v11, v9  }
0x40: {  	v43 =	vld [tilespmem:s16+$0x80];
	vm15 =	vle.s32 v33, v3;
	v42 =	vsel vm14, $0x1, v0;
	v9 =	vadd.s32 v40, v9  }
0x41: {  	v45 =	vld [tilespmem:s16+$0x90];
	vm4 =	vle.s32 v35, v3;
	v44 =	vsel vm15, $0x1, v0;
	v9 =	vadd.s32 v42, v9  }
0x42: {  	v47 =	vld [tilespmem:s16+$0xA0];
	vm5 =	vle.s32 v37, v3;
	v46 =	vsel vm4, $0x1, v0;
	v9 =	vadd.s32 v44, v9  }
0x43: {  	v49 =	vld [tilespmem:s16+$0xB0];
	vm6 =	vle.s32 v39, v3;
	v48 =	vsel vm5, $0x1, v0;
	v9 =	vadd.s32 v46, v9  }
0x44: {  	v51 =	vld [tilespmem:s16+$0xC0];
	vm7 =	vle.s32 v41, v3;
	v50 =	vsel vm6, $0x1, v0;
	v9 =	vadd.s32 v48, v9  }
0x45: {  	v53 =	vld [tilespmem:s16+$0xD0];
	vm8 =	vle.s32 v43, v3;
	v52 =	vsel vm7, $0x1, v0;
	v9 =	vadd.s32 v50, v9  }
0x46: {  	v55 =	vld [tilespmem:s16+$0xE0];
	vm9 =	vle.s32 v45, v3;
	v54 =	vsel vm8, $0x1, v0;
	v9 =	vadd.s32 v52, v9  }
0x47: {  	v57 =	vld [tilespmem:s16+$0xF0];
	vm10 =	vle.s32 v47, v3;
	v56 =	vsel vm9, $0x1, v0;
	v9 =	vadd.s32 v54, v9  }
0x48: {  	vm11 =	vle.s32 v49, v3;
	v58 =	vsel vm10, $0x1, v0;
	v9 =	vadd.s32 v56, v9  }
0x49: {  	vm12 =	vle.s32 v51, v3;
	v60 =	vsel vm11, $0x1, v0;
	v59 =	vadd.s32 v58, v9  }
0x4a: {  	v5 =	vsel vm12, $0x1, v0;
	vm13 =	vle.s32 v53, v3;
	v4 =	vadd.s32 v60, v59  }
0x4b: {  	vm14 =	vle.s32 v55, v3;
	v61 =	vsel vm13, $0x1, v0;
	v4 =	vadd.s32 v5, v4  }
0x4c: {  	vm15 =	vle.s32 v57, v3;
	v62 =	vsel vm14, $0x1, v0;
	v4 =	vadd.s32 v61, v4  }
0x4d: {  	v63 =	vsel vm15, $0x1, v0;
	v3 =	vadd.s32 v62, v4  }
0x4e: {  	v3 =	vadd.s32 v63, v3  }
0x4f: {  	(v2sf) =	vpush v3, $0x0  }
0x50: {  	(v2sf) =	vpush v3, $0x1  }
0x51: {  	(v2sf) =	vpush v3, $0x2  }
0x52: {  	(v2sf) =	vpush v3, $0x3  }
0x53: {  	(v2sf) =	vpush v3, $0x4  }
0x54: {  	(v2sf) =	vpush v3, $0x5  }
0x55: {  	(v2sf) =	vpush v3, $0x6  }
0x56: {  	(v2sf) =	vpush v3, $0x7  }
0x57: {  	(v2sf) =	vpush v3, $0x8  }
0x58: {  	(v2sf) =	vpush v3, $0x9  }
0x59: {  	(v2sf) =	vpush v3, $0xA  }
0x5a: {  	(v2sf) =	vpush v3, $0xB  }
0x5b: {  	(v2sf) =	vpush v3, $0xC  }
0x5c: {  	(v2sf) =	vpush v3, $0xD  }
0x5d: {  	(v2sf) =	vpush v3, $0xE  }
0x5e: {  	s30 =	spop (v2sf);
	(v2sf) =	vpush v3, $0xF  }
0x5f: {  	s17 =	spop (v2sf)  }
0x60: {  	s16 =	sadd.s32 s17, s30;
	s31 =	spop (v2sf)  }
0x61: {  	s16 =	sadd.s32 s31, s16;
	s18 =	spop (v2sf)  }
0x62: {  	s16 =	sadd.s32 s18, s16;
	s19 =	spop (v2sf)  }
0x63: {  	s16 =	sadd.s32 s19, s16;
	s20 =	spop (v2sf)  }
0x64: {  	s16 =	sadd.s32 s20, s16;
	s21 =	spop (v2sf)  }
0x65: {  	s16 =	sadd.s32 s21, s16;
	s22 =	spop (v2sf)  }
0x66: {  	s16 =	sadd.s32 s22, s16;
	s23 =	spop (v2sf)  }
0x67: {  	s16 =	sadd.s32 s23, s16;
	s24 =	spop (v2sf)  }
0x68: {  	s16 =	sadd.s32 s24, s16;
	s25 =	spop (v2sf)  }
0x69: {  	s16 =	sadd.s32 s25, s16;
	s26 =	spop (v2sf)  }
0x6a: {  	s16 =	sadd.s32 s26, s16;
	s28 =	spop (v2sf)  }
0x6b: {  	s14 =	sadd.s32 $0x1, s14;
	s16 =	sadd.s32 s28, s16;
	s29 =	spop (v2sf)  }
0x6c: {  	p1 =	sne.s32 s14, $0x1E;
	s16 =	sadd.s32 s29, s16;
	s30 =	spop (v2sf)  }
.Ltmp2:
0x6d: {  	s16 =	sadd.s32 s30, s16;
	s31 =	spop (v2sf);
	(pc) =	sbr.rel @p1 .LBB2_3-.Ltmp2, $4  }
0x6e: {  	s17 =	sadd.s32 s31, s16  }
0x6f: {  	s16 =	sadd.s32 $0x1, s15;
	p0 =	sgt.s32 s17, $0x332  }
0x70: {  	s16 =	smov.u32 @p0 s11  }
0x71: {  	s13 =	smov.u32 @p0 s15;
	s12 =	smov.u32 @p0 s17;
	s11 =	smov.u32 s16  }
0x72: {  	p0 =	sne.s32 s12, $0x333  }
.Ltmp3:
0x73: {  	_ = 	snop;
	(pc) =	sbr.rel @p0 .LBB2_8-.Ltmp3, $2  }
0x74: {  	_ =	sdelay $0x2  }
0x75: {  	v3 =	vmov s16  }
.Ltmp4:
0x76: {  	(pc) =	sbr.rel .LBB2_14-.Ltmp4, $2  }
0x77: {  	_ =	sdelay $0x2  }
0x78: {  	s15 =	simm.s32 $0xFFF  }
.LBB2_8:
0x79: {  	s13 =	simm.s32 $0x0  }
0x7a: {  	v5 =	vld [tilespmem:s13+$0x0]  }
0x7b: {  	v6 =	vld [tilespmem:s13+$0x10]  }
0x7c: {  	v7 =	vld [tilespmem:s13+$0x20]  }
0x7d: {  	s11 =	sadd.s32 $0xFFFFFFFF, s16;
	v8 =	vld [tilespmem:s13+$0x30]  }
0x7e: {  	v4 =	vmov s11;
	v9 =	vld [tilespmem:s13+$0x40]  }
0x7f: {  	vm0 =	vle.s32 v5, v4;
	v5 =	vld [tilespmem:s13+$0x50]  }
0x80: {  	v10 =	vimm.s32 $0x0;
	v11 =	vsel vm0, $0x1, v0;
	vm0 =	vle.s32 v6, v4;
	v6 =	vld [tilespmem:s13+$0x60]  }
0x81: {  	v10 =	vadd.s32 v11, v10;
	v11 =	vsel vm0, $0x1, v0;
	vm0 =	vle.s32 v7, v4;
	v7 =	vld [tilespmem:s13+$0x70]  }
0x82: {  	v10 =	vadd.s32 v11, v10;
	v11 =	vsel vm0, $0x1, v0;
	vm0 =	vle.s32 v8, v4;
	v8 =	vld [tilespmem:s13+$0x80]  }
0x83: {  	v10 =	vadd.s32 v11, v10;
	v11 =	vsel vm0, $0x1, v0;
	vm0 =	vle.s32 v9, v4;
	v9 =	vld [tilespmem:s13+$0x90]  }
0x84: {  	v12 =	vld [tilespmem:s13+$0xA0];
	v10 =	vadd.s32 v11, v10;
	v11 =	vsel vm0, $0x1, v0;
	vm0 =	vle.s32 v5, v4  }
0x85: {  	v5 =	vld [tilespmem:s13+$0xB0];
	v10 =	vadd.s32 v11, v10;
	v11 =	vsel vm0, $0x1, v0;
	vm0 =	vle.s32 v6, v4  }
0x86: {  	v6 =	vld [tilespmem:s13+$0xC0];
	v10 =	vadd.s32 v11, v10;
	v11 =	vsel vm0, $0x1, v0;
	vm0 =	vle.s32 v7, v4  }
0x87: {  	v7 =	vld [tilespmem:s13+$0xD0];
	v10 =	vadd.s32 v11, v10;
	v11 =	vsel vm0, $0x1, v0;
	vm0 =	vle.s32 v8, v4  }
0x88: {  	v8 =	vld [tilespmem:s13+$0xE0];
	v10 =	vadd.s32 v11, v10;
	v11 =	vsel vm0, $0x1, v0;
	vm0 =	vle.s32 v9, v4  }
0x89: {  	s12 =	simm.s32 $0x800;
	s11 =	simm.s32 $0x100;
	v9 =	vld [tilespmem:s13+$0xF0];
	v10 =	vadd.s32 v11, v10;
	v11 =	vsel vm0, $0x1, v0;
	vm0 =	vle.s32 v12, v4  }
.LBB2_9:
0x8a: {  	p0 =	sne.s32 s12, $0x3C00;
	v12 =	vld [tilespmem:s11+$0x0];
	v10 =	vadd.s32 v11, v10;
	v11 =	vsel vm0, $0x1, v0;
	vm0 =	vle.s32 v5, v4  }
0x8b: {  	v5 =	vld [tilespmem:s11+$0x10];
	v10 =	vadd.s32 v11, v10;
	v11 =	vsel vm0, $0x1, v0;
	vm0 =	vle.s32 v6, v4  }
0x8c: {  	v6 =	vld [tilespmem:s11+$0x20];
	v10 =	vadd.s32 v11, v10;
	v11 =	vsel vm0, $0x1, v0;
	vm0 =	vle.s32 v7, v4  }
0x8d: {  	v7 =	vld [tilespmem:s11+$0x30];
	v10 =	vadd.s32 v11, v10;
	v11 =	vsel vm0, $0x1, v0;
	vm0 =	vle.s32 v8, v4  }
0x8e: {  	v8 =	vld [tilespmem:s11+$0x40];
	v10 =	vadd.s32 v11, v10;
	v11 =	vsel vm0, $0x1, v0;
	vm0 =	vle.s32 v9, v4  }
0x8f: {  	vm1 =	vle.s32 v12, v4;
	v9 =	vld [tilespmem:s11+$0x50];
	v10 =	vadd.s32 v11, v10;
	v11 =	vsel vm0, $0x1, v0  }
0x90: {  	v12 =	vsel vm1, $0x1, v0;
	vm0 =	vle.s32 v5, v4;
	v5 =	vld [tilespmem:s11+$0x60];
	v10 =	vadd.s32 v11, v10  }
0x91: {  	v10 =	vadd.s32 v12, v10;
	v11 =	vsel vm0, $0x1, v0;
	vm0 =	vle.s32 v6, v4;
	v6 =	vld [tilespmem:s11+$0x70]  }
0x92: {  	v10 =	vadd.s32 v11, v10;
	v11 =	vsel vm0, $0x1, v0;
	vm0 =	vle.s32 v7, v4;
	v7 =	vld [tilespmem:s11+$0x80]  }
0x93: {  	v10 =	vadd.s32 v11, v10;
	v11 =	vsel vm0, $0x1, v0;
	vm0 =	vle.s32 v8, v4;
	v8 =	vld [tilespmem:s11+$0x90]  }
0x94: {  	v10 =	vadd.s32 v11, v10;
	v11 =	vsel vm0, $0x1, v0;
	vm0 =	vle.s32 v9, v4;
	v9 =	vld [tilespmem:s11+$0xA0]  }
.Ltmp5:
0x95: {  	v10 =	vadd.s32 v11, v10;
	v11 =	vsel vm0, $0x1, v0;
	vm0 =	vle.s32 v5, v4;
	v5 =	vld [tilespmem:s11+$0xB0];
	(pc) =	sbr.rel @p0 .LBB2_9-.Ltmp5, $4  }
0x96: {  	v10 =	vadd.s32 v11, v10;
	v11 =	vsel vm0, $0x1, v0;
	vm0 =	vle.s32 v6, v4;
	v6 =	vld [tilespmem:s11+$0xC0]  }
0x97: {  	v10 =	vadd.s32 v11, v10;
	v11 =	vsel vm0, $0x1, v0;
	vm0 =	vle.s32 v7, v4;
	v7 =	vld [tilespmem:s11+$0xD0]  }
0x98: {  	v10 =	vadd.s32 v11, v10;
	v11 =	vsel vm0, $0x1, v0;
	vm0 =	vle.s32 v8, v4;
	v8 =	vld [tilespmem:s11+$0xE0]  }
0x99: {  	v10 =	vadd.s32 v11, v10;
	v11 =	vsel vm0, $0x1, v0;
	vm0 =	vle.s32 v9, v4;
	v9 =	vld [tilespmem:s11+$0xF0];
	s11 =	sshra.s32 s12, $0x2;
	s12 =	sadd.s32 $0x400, s12  }
0x9a: {  	v12 =	vld [tilespmem:s11+$0x0];
	v10 =	vadd.s32 v11, v10;
	v33 =	vsel vm0, $0x1, v0;
	vm8 =	vle.s32 v5, v4  }
0x9b: {  	v5 =	vld [tilespmem:s11+$0x10];
	v10 =	vadd.s32 v33, v10;
	v34 =	vsel vm8, $0x1, v0;
	vm9 =	vle.s32 v6, v4  }
0x9c: {  	v35 =	vld [tilespmem:s11+$0x20];
	v10 =	vadd.s32 v34, v10;
	v36 =	vsel vm9, $0x1, v0;
	vm10 =	vle.s32 v7, v4  }
0x9d: {  	v37 =	vld [tilespmem:s11+$0x30];
	v10 =	vadd.s32 v36, v10;
	v38 =	vsel vm10, $0x1, v0;
	vm11 =	vle.s32 v8, v4  }
0x9e: {  	v39 =	vld [tilespmem:s11+$0x40];
	v10 =	vadd.s32 v38, v10;
	v40 =	vsel vm11, $0x1, v0;
	vm12 =	vle.s32 v9, v4  }
0x9f: {  	v41 =	vld [tilespmem:s11+$0x50];
	vm1 =	vle.s32 v12, v4;
	v10 =	vadd.s32 v40, v10;
	v42 =	vsel vm12, $0x1, v0  }
0xa0: {  	vm13 =	vle.s32 v5, v4;
	v5 =	vld [tilespmem:s11+$0x60];
	v12 =	vsel vm1, $0x1, v0;
	v10 =	vadd.s32 v42, v10  }
0xa1: {  	v44 =	vld [tilespmem:s11+$0x70];
	vm14 =	vle.s32 v35, v4;
	v43 =	vsel vm13, $0x1, v0;
	v10 =	vadd.s32 v12, v10  }
0xa2: {  	v46 =	vld [tilespmem:s11+$0x80];
	vm15 =	vle.s32 v37, v4;
	v45 =	vsel vm14, $0x1, v0;
	v10 =	vadd.s32 v43, v10  }
0xa3: {  	v48 =	vld [tilespmem:s11+$0x90];
	vm4 =	vle.s32 v39, v4;
	v47 =	vsel vm15, $0x1, v0;
	v10 =	vadd.s32 v45, v10  }
0xa4: {  	v50 =	vld [tilespmem:s11+$0xA0];
	vm5 =	vle.s32 v41, v4;
	v49 =	vsel vm4, $0x1, v0;
	v10 =	vadd.s32 v47, v10  }
0xa5: {  	v51 =	vsel vm5, $0x1, v0;
	vm6 =	vle.s32 v5, v4;
	v5 =	vld [tilespmem:s11+$0xB0];
	v10 =	vadd.s32 v49, v10  }
0xa6: {  	v53 =	vld [tilespmem:s11+$0xC0];
	vm7 =	vle.s32 v44, v4;
	v52 =	vsel vm6, $0x1, v0;
	v10 =	vadd.s32 v51, v10  }
0xa7: {  	v55 =	vld [tilespmem:s11+$0xD0];
	vm8 =	vle.s32 v46, v4;
	v54 =	vsel vm7, $0x1, v0;
	v10 =	vadd.s32 v52, v10  }
0xa8: {  	v57 =	vld [tilespmem:s11+$0xE0];
	vm9 =	vle.s32 v48, v4;
	v56 =	vsel vm8, $0x1, v0;
	v10 =	vadd.s32 v54, v10  }
0xa9: {  	v59 =	vld [tilespmem:s11+$0xF0];
	vm10 =	vle.s32 v50, v4;
	v58 =	vsel vm9, $0x1, v0;
	v10 =	vadd.s32 v56, v10  }
0xaa: {  	v60 =	vsel vm10, $0x1, v0;
	vm11 =	vle.s32 v5, v4;
	v10 =	vadd.s32 v58, v10  }
0xab: {  	vm12 =	vle.s32 v53, v4;
	v61 =	vsel vm11, $0x1, v0;
	v5 =	vadd.s32 v60, v10  }
0xac: {  	v6 =	vsel vm12, $0x1, v0;
	vm13 =	vle.s32 v55, v4;
	v5 =	vadd.s32 v61, v5  }
0xad: {  	vm14 =	vle.s32 v57, v4;
	v62 =	vsel vm13, $0x1, v0;
	v5 =	vadd.s32 v6, v5  }
0xae: {  	vm15 =	vle.s32 v59, v4;
	v63 =	vsel vm14, $0x1, v0;
	v5 =	vadd.s32 v62, v5  }
0xaf: {  	v4 =	vadd.s32 v63, v5;
	v5 =	vsel vm15, $0x1, v0  }
0xb0: {  	v4 =	vadd.s32 v5, v4  }
0xb1: {  	(v2sf) =	vpush v4, $0x0  }
0xb2: {  	(v2sf) =	vpush v4, $0x1  }
0xb3: {  	(v2sf) =	vpush v4, $0x2  }
0xb4: {  	(v2sf) =	vpush v4, $0x3  }
0xb5: {  	(v2sf) =	vpush v4, $0x4  }
0xb6: {  	(v2sf) =	vpush v4, $0x5  }
0xb7: {  	(v2sf) =	vpush v4, $0x6  }
0xb8: {  	(v2sf) =	vpush v4, $0x7  }
0xb9: {  	(v2sf) =	vpush v4, $0x8  }
0xba: {  	(v2sf) =	vpush v4, $0x9  }
0xbb: {  	(v2sf) =	vpush v4, $0xA  }
0xbc: {  	(v2sf) =	vpush v4, $0xB  }
0xbd: {  	(v2sf) =	vpush v4, $0xC  }
0xbe: {  	(v2sf) =	vpush v4, $0xD  }
0xbf: {  	(v2sf) =	vpush v4, $0xE  }
0xc0: {  	s17 =	spop (v2sf);
	(v2sf) =	vpush v4, $0xF  }
0xc1: {  	s12 =	spop (v2sf)  }
0xc2: {  	s13 =	spop (v2sf);
	s11 =	sadd.s32 s17, s12  }
0xc3: {  	s18 =	spop (v2sf);
	s11 =	sadd.s32 s13, s11  }
0xc4: {  	s19 =	spop (v2sf);
	s11 =	sadd.s32 s18, s11  }
0xc5: {  	s20 =	spop (v2sf);
	s11 =	sadd.s32 s19, s11  }
0xc6: {  	s21 =	spop (v2sf);
	s11 =	sadd.s32 s20, s11  }
0xc7: {  	s22 =	spop (v2sf);
	s11 =	sadd.s32 s21, s11  }
0xc8: {  	s23 =	spop (v2sf);
	s11 =	sadd.s32 s22, s11  }
0xc9: {  	s24 =	spop (v2sf);
	s11 =	sadd.s32 s23, s11  }
0xca: {  	s25 =	spop (v2sf);
	s11 =	sadd.s32 s24, s11  }
0xcb: {  	s26 =	spop (v2sf);
	s11 =	sadd.s32 s25, s11  }
0xcc: {  	s28 =	spop (v2sf);
	s11 =	sadd.s32 s26, s11  }
0xcd: {  	s29 =	spop (v2sf);
	s11 =	sadd.s32 s28, s11  }
0xce: {  	s30 =	spop (v2sf);
	s11 =	sadd.s32 s29, s11  }
0xcf: {  	s31 =	spop (v2sf);
	s11 =	sadd.s32 s30, s11  }
0xd0: {  	s14 =	simm.s32 $0xFFF;
	s11 =	sadd.s32 s31, s11  }
0xd1: {  	s12 =	simm.s32 $0x0;
	s13 =	simm.s32 $0xFFFFFFFF;
	s11 =	ssub.s32 $0x333, s11  }
.LBB2_11:
0xd2: {  	s15 =	ssub.s32 s14, s13;
	s28 =	simm.s32 $0xF0;
	s29 =	simm.s32 $0xE0  }
0xd3: {  	s30 =	simm.s32 $0xB0;
	s19 =	simm.s32 $0xC0;
	s20 =	simm.s32 $0xD0  }
0xd4: {  	s31 =	simm.s32 $0x80;
	s16 =	sadd.s32 $0x1, s15;
	p0 =	slt.u32 s15, $0x7FFFFFFF  }
0xd5: {  	s15 =	simm.s32 $0x1;
	s17 =	sshra.s32 s16, $0x1F;
	s18 =	sshrl.u32 s16, $0x1F  }
0xd6: {  	s25 =	sand.u32 $0x1, s16;
	s26 =	sadd.s32 s18, s16;
	s16 =	simm.s32 $0x80  }
0xd7: {  	s21 =	simm.s32 $0x90;
	s22 =	simm.s32 $0xA0;
	s15 =	simm.s32 @!p0 $0x0;
	v5 =	vld [tilespmem:s16+$0x70]  }
0xd8: {  	s23 =	simm.s32 $0x50;
	s24 =	simm.s32 $0x60;
	s15 =	sadd.s32 s15, s17;
	v6 =	vld [tilespmem:s16+$0x60]  }
0xd9: {  	v10 =	vimm.s32 $0x0;
	v11 =	vor.u32 s28, v1;
	v16 =	vor.u32 s29, v1;
	s28 =	simm.s32 $0x30;
	p1 =	seq.s32 s25, $0x1;
	p6 =	sne.s32 s15, $0x1;
	v7 =	vld [tilespmem:s16+$0x50]  }
0xda: {  	v17 =	vor.u32 s30, v1;
	v18 =	vor.u32 s19, v1;
	v21 =	vor.u32 s20, v1;
	s29 =	simm.s32 $0x40;
	s30 =	simm.s32 $0x0;
	v8 =	vld [tilespmem:s16+$0x40];
	p0 =	por !p6, !p1  }
0xdb: {  	v22 =	vor.u32 s31, v1;
	v23 =	vor.u32 s21, v1;
	v24 =	vor.u32 s22, v1;
	s17 =	simm.s32 $0x1;
	s15 =	sshra.s32 s26, $0x1;
	v9 =	vld [tilespmem:s16+$0x30];
	p0 =	por !p0, !p0  }
0xdc: {  	v25 =	vor.u32 s23, v1;
	v26 =	vor.u32 s24, v1;
	s31 =	simm.s32 $0x10;
	v29 =	vor.u32 s28, v1;
	v12 =	vld [tilespmem:s16+$0x10];
	s15 =	sadd.s32 s13, s15;
	s17 =	simm.s32 @!p0 $0x0  }
0xdd: {  	v30 =	vor.u32 s29, v1;
	v20 =	vor.u32 s30, v1;
	v19 =	vor.u32 s31, v1;
	s25 =	simm.s32 $0x70;
	s26 =	simm.s32 $0x20;
	v13 =	vld [tilespmem:s16+$0x0];
	s15 =	ssub.s32 s15, s17  }
0xde: {  	v27 =	vor.u32 s25, v1;
	v14 =	vld [tilespmem:s16+$0xFFFFFFF0];
	v28 =	vor.u32 s26, v1;
	v4 =	vmov s15  }
0xdf: {  	v15 =	vld [tilespmem:s16+$0xFFFFFFE0];
	vm5 =	vle.s32 v11, v4;
	vm6 =	vle.s32 v16, v4;
	vm15 =	vle.s32 v17, v4  }
0xe0: {  	v11 =	vld [tilespmem:s16+$0x20];
	vm13 =	vle.s32 v18, v4;
	vm0 =	vle.s32 v23, v4;
	v18 =	vimm.s32 $0x0  }
0xe1: {  	v16 =	vld [tilespmem:s16+$0xFFFFFFD0];
	vm7 =	vle.s32 v21, v4;
	vm12 =	vle.s32 v22, v4;
	v18 =	vsel vm0, $0xFFFFFFFF, v18  }
0xe2: {  	v17 =	vld [tilespmem:s16+$0xFFFFFFC0];
	vm10 =	vle.s32 v25, v4;
	vm0 =	vle.s32 v24, v4;
	[tilespmem:$0x1FFE0] =	vst v18;
	v18 =	vimm.s32 $0x0  }
0xe3: {  	vm9 =	vle.s32 v26, v4;
	vm8 =	vle.s32 v27, v4;
	v21 =	vld [tilespmem:s16+$0xFFFFFF80];
	v18 =	vsel vm0, $0xFFFFFFFF, v18  }
0xe4: {  	s17 =	simm.s32 $0x1F0;
	vm11 =	vle.s32 v28, v4;
	vm14 =	vle.s32 v30, v4;
	vm0 =	vle.s32 v29, v4;
	[tilespmem:$0x1FFF0] =	vst v18;
	v18 =	vld [tilespmem:s16+$0xFFFFFFB0]  }
.LBB2_12:
0xe5: {  	v22 =	vimm.s32 $0x0  }
0xe6: {  	v22 =	vsel vm7, $0xFFFFFFFF, v22  }
0xe7: {  	[tilespmem:$0x1FF90] =	vst v22;
	v22 =	vimm.s32 $0x0  }
0xe8: {  	v22 =	vsel vm13, $0xFFFFFFFF, v22  }
0xe9: {  	vm1 =	vle.s32 v19, v4;
	[tilespmem:$0x1FF70] =	vst v22;
	v22 =	vimm.s32 $0x0  }
0xea: {  	vm2 =	veq.s32 v5, v3;
	v5 =	vimm.s32 $0x0;
	vm4 =	veq.s32 v15, v3  }
0xeb: {  	vm13 =	veq.s32 v14, v3;
	v22 =	vsel vm6, $0xFFFFFFFF, v22;
	v5 =	vsel vm2, $0xFFFFFFFF, v5  }
0xec: {  	vm2 =	veq.s32 v8, v3;
	v8 =	vimm.s32 $0x0;
	[tilespmem:$0x1FFB0] =	vst v22;
	v22 =	vimm.s32 $0x0  }
0xed: {  	v8 =	vsel vm2, $0xFFFFFFFF, v8;
	vm2 =	veq.s32 v7, v3;
	v7 =	vimm.s32 $0x0  }
0xee: {  	v7 =	vsel vm2, $0xFFFFFFFF, v7;
	vm2 =	veq.s32 v6, v3;
	v6 =	vimm.s32 $0x0  }
0xef: {  	vm3 =	veq.s32 v13, v3;
	[tilespmem:$0x1FFC0] =	vst v5;
	v22 =	vsel vm15, $0xFFFFFFFF, v22;
	v6 =	vsel vm2, $0xFFFFFFFF, v6  }
0xf0: {  	vm15 =	vle.s32 v20, v4;
	v20 =	vld [tilespmem:s16+$0xFFFFFF90];
	vm2 =	veq.s32 v12, v3;
	[tilespmem:$0x1FFA0] =	vst v6;
	v6 =	vimm.s32 $0x0  }
0xf1: {  	vm7 =	veq.s32 v18, v3;
	vm6 =	veq.s32 v17, v3;
	v5 =	vld [tilespmem:s16+$0xFFFFFFA0];
	[tilespmem:$0x1FF40] =	vst v22;
	v6 =	vsel vm2, $0xFFFFFFFF, v6  }
0xf2: {  	v22 =	vimm.s32 $0x0;
	vm2 =	veq.s32 v11, v3;
	[tilespmem:$0x1FF20] =	vst v6;
	v6 =	vimm.s32 $0x0  }
0xf3: {  	vm0 =	vmand vm0, vm7;
	v22 =	vsel vm5, $0xFFFFFFFF, v22;
	v6 =	vsel vm2, $0xFFFFFFFF, v6  }
0xf4: {  	vm5 =	veq.s32 v21, v3;
	vm2 =	veq.s32 v9, v3;
	[tilespmem:$0x1FF30] =	vst v6;
	v6 =	vimm.s32 $0x0  }
0xf5: {  	vm5 =	vmand vm15, vm5;
	vm15 =	veq.s32 v20, v3;
	v6 =	vsel vm2, $0xFFFFFFFF, v6  }
0xf6: {  	vm1 =	vmand vm1, vm15;
	[tilespmem:$0x1FF50] =	vst v6;
	v6 =	vsel vm5, $0x1, v0;
	vm5 =	veq.s32 v5, v3  }
0xf7: {  	v5 =	vadd.s32 v6, v10;
	v6 =	vsel vm1, $0x1, v0;
	vm1 =	vmand vm11, vm5  }
0xf8: {  	vm2 =	veq.s32 v16, v3;
	v5 =	vadd.s32 v6, v5;
	v6 =	vsel vm1, $0x1, v0  }
0xf9: {  	[tilespmem:$0x1FF80] =	vst v7;
	v7 =	vld [tilespmem:$0x1FFE0];
	v5 =	vadd.s32 v6, v5;
	v6 =	vsel vm0, $0x1, v0;
	vm0 =	vmand vm14, vm6  }
0xfa: {  	v5 =	vadd.s32 v6, v5;
	v6 =	vsel vm0, $0x1, v0;
	vm0 =	vmand vm10, vm2  }
0xfb: {  	v5 =	vadd.s32 v6, v5;
	v6 =	vsel vm0, $0x1, v0;
	vm0 =	vmand vm9, vm4  }
0xfc: {  	v5 =	vadd.s32 v6, v5;
	v6 =	vsel vm0, $0x1, v0;
	vm0 =	vmand vm8, vm13  }
0xfd: {  	v5 =	vadd.s32 v6, v5;
	v6 =	vsel vm0, $0x1, v0;
	vm0 =	vmand vm12, vm3  }
0xfe: {  	v5 =	vadd.s32 v6, v5;
	v6 =	vsel vm0, $0x1, v0;
	vm0 =	vnez.u8 v7;
	v7 =	vld [tilespmem:$0x1FF20];
	_ =	sdelay $0x4  }
0xff: {  	vm1 =	vnez.u8 v7;
	v7 =	vld [tilespmem:$0x1FFF0];
	_ =	sdelay $0x3  }
0x100: {  	vm0 =	vmand vm0, vm1  }
0x101: {  	v5 =	vadd.s32 v6, v5;
	v6 =	vsel vm0, $0x1, v0;
	vm0 =	vnez.u8 v7;
	v7 =	vld [tilespmem:$0x1FF30];
	_ =	sdelay $0x4  }
0x102: {  	vm1 =	vnez.u8 v7;
	v7 =	vld [tilespmem:$0x1FF40];
	_ =	sdelay $0x3  }
0x103: {  	vm0 =	vmand vm0, vm1  }
0x104: {  	v5 =	vadd.s32 v6, v5;
	v6 =	vsel vm0, $0x1, v0;
	vm0 =	vnez.u8 v7;
	v7 =	vld [tilespmem:$0x1FF50]  }
0x105: {  	[tilespmem:$0x1FF60] =	vst v8  }
0x106: {  	v6 =	vadd.s32 v6, v5;
	v5 =	vld [tilespmem:$0x1FF60];
	_ =	sdelay $0x2  }
0x107: {  	vm1 =	vnez.u8 v7  }
0x108: {  	vm0 =	vmand vm0, vm1  }
0x109: {  	v7 =	vsel vm0, $0x1, v0;
	vm0 =	vnez.u8 v5;
	v5 =	vld [tilespmem:$0x1FF70];
	_ =	sdelay $0x1  }
0x10a: {  	v7 =	vadd.s32 v7, v6;
	v6 =	vld [tilespmem:$0x1FF80];
	_ =	sdelay $0x2  }
0x10b: {  	vm1 =	vnez.u8 v5  }
0x10c: {  	vm0 =	vmand vm1, vm0  }
0x10d: {  	v8 =	vsel vm0, $0x1, v0;
	vm0 =	vnez.u8 v6;
	v6 =	vld [tilespmem:$0x1FF90];
	_ =	sdelay $0x1  }
0x10e: {  	v8 =	vadd.s32 v8, v7;
	v7 =	vld [tilespmem:$0x1FFA0];
	_ =	sdelay $0x2  }
0x10f: {  	vm1 =	vnez.u8 v6  }
0x110: {  	vm0 =	vmand vm1, vm0  }
0x111: {  	v9 =	vsel vm0, $0x1, v0;
	vm0 =	vnez.u8 v7;
	v7 =	vld [tilespmem:$0x1FFB0];
	_ =	sdelay $0x1  }
0x112: {  	v9 =	vadd.s32 v9, v8;
	v8 =	vld [tilespmem:$0x1FFC0]  }
0x113: {  	s22 =	sadd.s32 $0xFFFFFFA0, s17;
	s16 =	sadd.s32 $0x100, s16  }
0x114: {  	s23 =	sadd.s32 $0xFFFFFFB0, s17;
	s24 =	sadd.s32 $0xFFFFFF70, s17;
	v23 =	vor.u32 s22, v1;
	v13 =	vld [tilespmem:s16+$0x0]  }
0x115: {  	s25 =	sadd.s32 $0xFFFFFF80, s17;
	s26 =	sadd.s32 $0xFFFFFF30, s17;
	v24 =	vor.u32 s23, v1;
	v26 =	vor.u32 s24, v1;
	v14 =	vld [tilespmem:s16+$0xFFFFFFF0];
	vm1 =	vnez.u8 v7  }
0x116: {  	s21 =	sadd.s32 $0xFFFFFFE0, s17;
	v27 =	vor.u32 s25, v1;
	v28 =	vor.u32 s26, v1;
	v15 =	vld [tilespmem:s16+$0xFFFFFFE0];
	[tilespmem:$0x1FFD0] =	vst v22;
	vm0 =	vmand vm1, vm0  }
0x117: {  	s19 =	sadd.s32 $0xFFFFFFC0, s17;
	s28 =	sadd.s32 $0xFFFFFF40, s17;
	v21 =	vor.u32 s21, v1;
	v10 =	vsel vm0, $0x1, v0;
	vm0 =	vnez.u8 v8;
	v8 =	vld [tilespmem:$0x1FFD0]  }
0x118: {  	s29 =	sadd.s32 $0xFFFFFF50, s17;
	v29 =	vor.u32 s28, v1;
	v17 =	vor.u32 s19, v1;
	vm7 =	vle.s32 v21, v4;
	v21 =	vld [tilespmem:s16+$0xFFFFFF80]  }
0x119: {  	s18 =	sadd.s32 $0xFFFFFFF0, s17;
	s20 =	sadd.s32 $0xFFFFFFD0, s17;
	v30 =	vor.u32 s29, v1;
	v11 =	vor.u32 s17, v1;
	vm15 =	vle.s32 v17, v4;
	v17 =	vld [tilespmem:s16+$0xFFFFFFC0]  }
0x11a: {  	s31 =	sadd.s32 $0xFFFFFF90, s17;
	v18 =	vor.u32 s20, v1;
	s21 =	sadd.s32 $0xFFFFFF60, s17;
	v16 =	vor.u32 s18, v1;
	vm5 =	vle.s32 v11, v4;
	v11 =	vld [tilespmem:s16+$0x20]  }
0x11b: {  	s30 =	sadd.s32 $0xFFFFFF10, s17;
	v22 =	vor.u32 s31, v1;
	v25 =	vor.u32 s21, v1;
	s31 =	sadd.s32 $0xFFFFFF20, s17;
	vm6 =	vle.s32 v16, v4;
	v16 =	vld [tilespmem:s16+$0xFFFFFFD0]  }
0x11c: {  	v19 =	vor.u32 s31, v1;
	v20 =	vor.u32 s30, v1;
	v5 =	vld [tilespmem:s16+$0x70];
	vm1 =	vnez.u8 v8  }
0x11d: {  	p0 =	sne.s32 s17, $0xFF0;
	vm11 =	vle.s32 v28, v4;
	vm13 =	vle.s32 v18, v4;
	v6 =	vld [tilespmem:s16+$0x60];
	vm0 =	vmand vm1, vm0  }
.Ltmp6:
0x11e: {  	v18 =	vimm.s32 $0x0;
	v7 =	vld [tilespmem:s16+$0x50];
	v12 =	vsel vm0, $0x1, v0;
	vm0 =	vle.s32 v23, v4;
	(pc) =	sbr.rel @p0 .LBB2_12-.Ltmp6, $4  }
0x11f: {  	vm14 =	vle.s32 v30, v4;
	v10 =	vadd.s32 v10, v9;
	v9 =	vld [tilespmem:s16+$0x30];
	v18 =	vsel vm0, $0xFFFFFFFF, v18  }
0x120: {  	vm10 =	vle.s32 v25, v4;
	v8 =	vld [tilespmem:s16+$0x40];
	vm0 =	vle.s32 v24, v4;
	[tilespmem:$0x1FFE0] =	vst v18;
	v18 =	vimm.s32 $0x0  }
0x121: {  	vm9 =	vle.s32 v26, v4;
	v10 =	vadd.s32 v12, v10;
	v12 =	vld [tilespmem:s16+$0x10];
	v18 =	vsel vm0, $0xFFFFFFFF, v18  }
0x122: {  	s17 =	sadd.s32 $0x100, s17;
	vm8 =	vle.s32 v27, v4;
	vm12 =	vle.s32 v22, v4;
	vm0 =	vle.s32 v29, v4;
	[tilespmem:$0x1FFF0] =	vst v18;
	v18 =	vld [tilespmem:s16+$0xFFFFFFB0]  }
0x123: {  	v22 =	vld [tilespmem:s16+$0xFFFFFF90]  }
0x124: {  	v23 =	vld [tilespmem:s16+$0xFFFFFFA0];
	_ =	sdelay $0x1  }
0x125: {  	vm1 =	vle.s32 v20, v4;
	vm2 =	veq.s32 v21, v3  }
0x126: {  	vm1 =	vmand vm1, vm2  }
0x127: {  	vm2 =	vle.s32 v19, v4;
	v4 =	vsel vm1, $0x1, v0  }
0x128: {  	v4 =	vadd.s32 v4, v10;
	vm3 =	veq.s32 v22, v3;
	vm4 =	veq.s32 v23, v3  }
0x129: {  	vm1 =	vmand vm2, vm3;
	vm11 =	vmand vm11, vm4;
	vm4 =	veq.s32 v18, v3  }
0x12a: {  	v48 =	vsel vm1, $0x1, v0;
	v49 =	vsel vm11, $0x1, v0;
	vm0 =	vmand vm0, vm4  }
0x12b: {  	v58 =	vld [tilespmem:$0x1FFF0];
	vm11 =	veq.s32 v17, v3;
	vm4 =	veq.s32 v16, v3;
	v50 =	vsel vm0, $0x1, v0  }
0x12c: {  	vm11 =	vmand vm14, vm11;
	vm1 =	vmand vm10, vm4;
	vm14 =	veq.s32 v15, v3  }
0x12d: {  	v56 =	vld [tilespmem:$0x1FFE0];
	vm4 =	veq.s32 v14, v3;
	v4 =	vadd.s32 v48, v4;
	vm10 =	veq.s32 v13, v3  }
0x12e: {  	v51 =	vsel vm11, $0x1, v0;
	v52 =	vsel vm1, $0x1, v0;
	vm0 =	vmand vm9, vm14  }
0x12f: {  	vm9 =	vmand vm8, vm4;
	v4 =	vadd.s32 v49, v4;
	vm11 =	veq.s32 v12, v3  }
0x130: {  	vm14 =	veq.s32 v11, v3;
	vm4 =	vnez.u8 v58;
	vm8 =	veq.s32 v9, v3  }
0x131: {  	v53 =	vsel vm0, $0x1, v0;
	v54 =	vsel vm9, $0x1, v0;
	v4 =	vadd.s32 v50, v4  }
0x132: {  	vm0 =	vmand vm12, vm10;
	vm12 =	vnez.u8 v56;
	v4 =	vadd.s32 v51, v4  }
0x133: {  	vm9 =	vmand vm15, vm8;
	vm10 =	veq.s32 v8, v3;
	v4 =	vadd.s32 v52, v4  }
0x134: {  	v55 =	vsel vm0, $0x1, v0;
	vm0 =	vmand vm12, vm11;
	v4 =	vadd.s32 v53, v4  }
0x135: {  	v60 =	vsel vm9, $0x1, v0;
	vm11 =	veq.s32 v7, v3;
	v4 =	vadd.s32 v54, v4  }
0x136: {  	v57 =	vsel vm0, $0x1, v0;
	vm0 =	vmand vm4, vm14;
	v4 =	vadd.s32 v55, v4  }
0x137: {  	vm12 =	vmand vm7, vm11;
	v59 =	vsel vm0, $0x1, v0;
	v4 =	vadd.s32 v57, v4  }
0x138: {  	vm14 =	veq.s32 v5, v3;
	vm0 =	vmand vm13, vm10;
	v4 =	vadd.s32 v59, v4  }
0x139: {  	vm13 =	veq.s32 v6, v3;
	v61 =	vsel vm0, $0x1, v0;
	v4 =	vadd.s32 v60, v4  }
0x13a: {  	v62 =	vsel vm12, $0x1, v0;
	vm0 =	vmand vm6, vm13;
	v4 =	vadd.s32 v61, v4  }
0x13b: {  	vm15 =	vmand vm5, vm14;
	v5 =	vsel vm0, $0x1, v0;
	v4 =	vadd.s32 v62, v4  }
0x13c: {  	v63 =	vsel vm15, $0x1, v0;
	v4 =	vadd.s32 v5, v4  }
0x13d: {  	v4 =	vadd.s32 v63, v4  }
0x13e: {  	(v2sf) =	vpush v4, $0x0  }
0x13f: {  	(v2sf) =	vpush v4, $0x1  }
0x140: {  	(v2sf) =	vpush v4, $0x2  }
0x141: {  	(v2sf) =	vpush v4, $0x3  }
0x142: {  	(v2sf) =	vpush v4, $0x4  }
0x143: {  	(v2sf) =	vpush v4, $0x5  }
0x144: {  	(v2sf) =	vpush v4, $0x6  }
0x145: {  	(v2sf) =	vpush v4, $0x7  }
0x146: {  	(v2sf) =	vpush v4, $0x8  }
0x147: {  	(v2sf) =	vpush v4, $0x9  }
0x148: {  	(v2sf) =	vpush v4, $0xA  }
0x149: {  	(v2sf) =	vpush v4, $0xB  }
0x14a: {  	(v2sf) =	vpush v4, $0xC  }
0x14b: {  	(v2sf) =	vpush v4, $0xD  }
0x14c: {  	(v2sf) =	vpush v4, $0xE  }
0x14d: {  	s30 =	spop (v2sf);
	(v2sf) =	vpush v4, $0xF  }
0x14e: {  	s17 =	spop (v2sf)  }
0x14f: {  	s16 =	sadd.s32 s17, s30;
	s31 =	spop (v2sf)  }
0x150: {  	s16 =	sadd.s32 s31, s16;
	s18 =	spop (v2sf)  }
0x151: {  	s16 =	sadd.s32 s18, s16;
	s19 =	spop (v2sf)  }
0x152: {  	s16 =	sadd.s32 s19, s16;
	s20 =	spop (v2sf)  }
0x153: {  	s16 =	sadd.s32 s20, s16;
	s21 =	spop (v2sf)  }
0x154: {  	s16 =	sadd.s32 s21, s16;
	s22 =	spop (v2sf)  }
0x155: {  	s16 =	sadd.s32 s22, s16;
	s23 =	spop (v2sf)  }
0x156: {  	s16 =	sadd.s32 s23, s16;
	s24 =	spop (v2sf)  }
0x157: {  	s16 =	sadd.s32 s24, s16;
	s25 =	spop (v2sf)  }
0x158: {  	s16 =	sadd.s32 s25, s16;
	s26 =	spop (v2sf)  }
0x159: {  	s16 =	sadd.s32 s26, s16;
	s28 =	spop (v2sf)  }
0x15a: {  	s16 =	sadd.s32 s28, s16;
	s29 =	spop (v2sf)  }
0x15b: {  	s16 =	sadd.s32 s29, s16;
	s30 =	spop (v2sf)  }
0x15c: {  	s16 =	sadd.s32 s30, s16;
	s31 =	spop (v2sf)  }
0x15d: {  	s16 =	sadd.s32 s31, s16  }
0x15e: {  	s12 =	sadd.s32 $0x1, s12;
	p0 =	slt.s32 s16, s11  }
0x15f: {  	s13 =	smov.u32 @p0 s15;
	s15 =	smov.u32 @p0 s14;
	p0 =	sne.s32 s12, $0xD  }
.Ltmp7:
0x160: {  	_ = 	snop;
	(pc) =	sbr.rel @p0 .LBB2_11-.Ltmp7, $2  }
0x161: {  	_ =	sdelay $0x2  }
0x162: {  	s14 =	smov.u32 s15  }
.LBB2_14:
0x163: {  	s11 =	simm.s32 $0x80  }
0x164: {  	v5 =	vld [tilespmem:s11+$0xFFFFFF80];
	_ =	sdelay $0x2  }
0x165: {  	s12 =	simm.s32 $0x0  }
0x166: {  	v4 =	vmov s15;
	v6 =	vor.u32 s12, v1  }
0x167: {  	vm1 =	vle.s32 v6, v4;
	vm0 =	veq.s32 v5, v3  }
0x168: {  	vm2 =	vlt.s32 v5, v3;
	vm0 =	vmand vm1, vm0  }
0x169: {  	vm0 =	vmor vm2, vm0  }
0x16a: {  	s12 =	simm.s32 $0x1080;
	v5 =	vsel vm0, $0x0, v2  }
0x16b: {  	[tilespmem:s12+$0xFFFFFF80] =	vst v5  }
0x16c: {  	v5 =	vld [tilespmem:s11+$0xFFFFFF90];
	_ =	sdelay $0x2  }
0x16d: {  	s13 =	simm.s32 $0x10  }
0x16e: {  	v6 =	vor.u32 s13, v1  }
0x16f: {  	vm8 =	vle.s32 v6, v4;
	vm7 =	veq.s32 v5, v3  }
0x170: {  	vm9 =	vlt.s32 v5, v3;
	vm0 =	vmand vm8, vm7  }
0x171: {  	vm0 =	vmor vm9, vm0  }
0x172: {  	v5 =	vsel vm0, $0x0, v2  }
0x173: {  	[tilespmem:s12+$0xFFFFFF90] =	vst v5  }
0x174: {  	v5 =	vld [tilespmem:s11+$0xFFFFFFA0];
	_ =	sdelay $0x2  }
0x175: {  	s17 =	simm.s32 $0x20  }
0x176: {  	v6 =	vor.u32 s17, v1  }
0x177: {  	vm11 =	vle.s32 v6, v4;
	vm10 =	veq.s32 v5, v3  }
0x178: {  	vm12 =	vlt.s32 v5, v3;
	vm0 =	vmand vm11, vm10  }
0x179: {  	vm0 =	vmor vm12, vm0  }
0x17a: {  	v5 =	vsel vm0, $0x0, v2  }
0x17b: {  	[tilespmem:s12+$0xFFFFFFA0] =	vst v5  }
0x17c: {  	v5 =	vld [tilespmem:s11+$0xFFFFFFB0];
	_ =	sdelay $0x2  }
0x17d: {  	s18 =	simm.s32 $0x30  }
0x17e: {  	v6 =	vor.u32 s18, v1  }
0x17f: {  	vm14 =	vle.s32 v6, v4;
	vm13 =	veq.s32 v5, v3  }
0x180: {  	vm15 =	vlt.s32 v5, v3;
	vm0 =	vmand vm14, vm13  }
0x181: {  	vm0 =	vmor vm15, vm0  }
0x182: {  	v5 =	vsel vm0, $0x0, v2  }
0x183: {  	[tilespmem:s12+$0xFFFFFFB0] =	vst v5  }
0x184: {  	v5 =	vld [tilespmem:s11+$0xFFFFFFC0];
	_ =	sdelay $0x2  }
0x185: {  	s19 =	simm.s32 $0x40  }
0x186: {  	v6 =	vor.u32 s19, v1  }
0x187: {  	vm5 =	vle.s32 v6, v4;
	vm4 =	veq.s32 v5, v3  }
0x188: {  	vm6 =	vlt.s32 v5, v3;
	vm0 =	vmand vm5, vm4  }
0x189: {  	vm0 =	vmor vm6, vm0  }
0x18a: {  	v5 =	vsel vm0, $0x0, v2  }
0x18b: {  	[tilespmem:s12+$0xFFFFFFC0] =	vst v5  }
0x18c: {  	v5 =	vld [tilespmem:s11+$0xFFFFFFD0];
	_ =	sdelay $0x2  }
0x18d: {  	s20 =	simm.s32 $0x50  }
0x18e: {  	v6 =	vor.u32 s20, v1  }
0x18f: {  	vm8 =	vle.s32 v6, v4;
	vm7 =	veq.s32 v5, v3  }
0x190: {  	vm9 =	vlt.s32 v5, v3;
	vm0 =	vmand vm8, vm7  }
0x191: {  	vm0 =	vmor vm9, vm0  }
0x192: {  	v5 =	vsel vm0, $0x0, v2  }
0x193: {  	[tilespmem:s12+$0xFFFFFFD0] =	vst v5  }
0x194: {  	v5 =	vld [tilespmem:s11+$0xFFFFFFE0];
	_ =	sdelay $0x2  }
0x195: {  	s21 =	simm.s32 $0x60  }
0x196: {  	v6 =	vor.u32 s21, v1  }
0x197: {  	vm11 =	vle.s32 v6, v4;
	vm10 =	veq.s32 v5, v3  }
0x198: {  	vm12 =	vlt.s32 v5, v3;
	vm0 =	vmand vm11, vm10  }
0x199: {  	vm0 =	vmor vm12, vm0  }
0x19a: {  	v5 =	vsel vm0, $0x0, v2  }
0x19b: {  	[tilespmem:s12+$0xFFFFFFE0] =	vst v5  }
0x19c: {  	v5 =	vld [tilespmem:s11+$0xFFFFFFF0];
	_ =	sdelay $0x2  }
0x19d: {  	s22 =	simm.s32 $0x70  }
0x19e: {  	v6 =	vor.u32 s22, v1  }
0x19f: {  	vm14 =	vle.s32 v6, v4;
	vm13 =	veq.s32 v5, v3  }
0x1a0: {  	vm15 =	vlt.s32 v5, v3;
	vm0 =	vmand vm14, vm13  }
0x1a1: {  	vm0 =	vmor vm15, vm0  }
0x1a2: {  	v5 =	vsel vm0, $0x0, v2  }
0x1a3: {  	[tilespmem:s12+$0xFFFFFFF0] =	vst v5  }
0x1a4: {  	v5 =	vld [tilespmem:s11+$0x0];
	_ =	sdelay $0x2  }
0x1a5: {  	s23 =	simm.s32 $0x80  }
0x1a6: {  	v6 =	vor.u32 s23, v1  }
0x1a7: {  	vm5 =	vle.s32 v6, v4;
	vm4 =	veq.s32 v5, v3  }
0x1a8: {  	vm6 =	vlt.s32 v5, v3;
	vm0 =	vmand vm5, vm4  }
0x1a9: {  	vm0 =	vmor vm6, vm0  }
0x1aa: {  	v5 =	vsel vm0, $0x0, v2  }
0x1ab: {  	[tilespmem:s12+$0x0] =	vst v5  }
0x1ac: {  	v5 =	vld [tilespmem:s11+$0x10];
	_ =	sdelay $0x2  }
0x1ad: {  	s24 =	simm.s32 $0x90  }
0x1ae: {  	v6 =	vor.u32 s24, v1  }
0x1af: {  	vm8 =	vle.s32 v6, v4;
	vm7 =	veq.s32 v5, v3  }
0x1b0: {  	vm9 =	vlt.s32 v5, v3;
	vm0 =	vmand vm8, vm7  }
0x1b1: {  	vm0 =	vmor vm9, vm0  }
0x1b2: {  	v5 =	vsel vm0, $0x0, v2  }
0x1b3: {  	[tilespmem:s12+$0x10] =	vst v5  }
0x1b4: {  	v5 =	vld [tilespmem:s11+$0x20];
	_ =	sdelay $0x2  }
0x1b5: {  	s25 =	simm.s32 $0xA0  }
0x1b6: {  	v6 =	vor.u32 s25, v1  }
0x1b7: {  	vm11 =	vle.s32 v6, v4;
	vm10 =	veq.s32 v5, v3  }
0x1b8: {  	vm12 =	vlt.s32 v5, v3;
	vm0 =	vmand vm11, vm10  }
0x1b9: {  	vm0 =	vmor vm12, vm0  }
0x1ba: {  	v5 =	vsel vm0, $0x0, v2  }
0x1bb: {  	[tilespmem:s12+$0x20] =	vst v5  }
0x1bc: {  	v5 =	vld [tilespmem:s11+$0x30];
	_ =	sdelay $0x2  }
0x1bd: {  	s26 =	simm.s32 $0xB0  }
0x1be: {  	v6 =	vor.u32 s26, v1  }
0x1bf: {  	vm14 =	vle.s32 v6, v4;
	vm13 =	veq.s32 v5, v3  }
0x1c0: {  	vm15 =	vlt.s32 v5, v3;
	vm0 =	vmand vm14, vm13  }
0x1c1: {  	vm0 =	vmor vm15, vm0  }
0x1c2: {  	v5 =	vsel vm0, $0x0, v2  }
0x1c3: {  	[tilespmem:s12+$0x30] =	vst v5  }
0x1c4: {  	v5 =	vld [tilespmem:s11+$0x40];
	_ =	sdelay $0x2  }
0x1c5: {  	s28 =	simm.s32 $0xC0  }
0x1c6: {  	v6 =	vor.u32 s28, v1  }
0x1c7: {  	vm5 =	vle.s32 v6, v4;
	vm4 =	veq.s32 v5, v3  }
0x1c8: {  	vm6 =	vlt.s32 v5, v3;
	vm0 =	vmand vm5, vm4  }
0x1c9: {  	vm0 =	vmor vm6, vm0  }
0x1ca: {  	v5 =	vsel vm0, $0x0, v2  }
0x1cb: {  	[tilespmem:s12+$0x40] =	vst v5  }
0x1cc: {  	v5 =	vld [tilespmem:s11+$0x50];
	_ =	sdelay $0x2  }
0x1cd: {  	s29 =	simm.s32 $0xD0  }
0x1ce: {  	v6 =	vor.u32 s29, v1  }
0x1cf: {  	vm8 =	vle.s32 v6, v4;
	vm7 =	veq.s32 v5, v3  }
0x1d0: {  	vm9 =	vlt.s32 v5, v3;
	vm0 =	vmand vm8, vm7  }
0x1d1: {  	vm0 =	vmor vm9, vm0  }
0x1d2: {  	v5 =	vsel vm0, $0x0, v2  }
0x1d3: {  	[tilespmem:s12+$0x50] =	vst v5  }
0x1d4: {  	v5 =	vld [tilespmem:s11+$0x60];
	_ =	sdelay $0x2  }
0x1d5: {  	s30 =	simm.s32 $0xE0  }
0x1d6: {  	v6 =	vor.u32 s30, v1  }
0x1d7: {  	vm11 =	vle.s32 v6, v4;
	vm10 =	veq.s32 v5, v3  }
0x1d8: {  	vm12 =	vlt.s32 v5, v3;
	vm0 =	vmand vm11, vm10  }
0x1d9: {  	vm0 =	vmor vm12, vm0  }
0x1da: {  	v5 =	vsel vm0, $0x0, v2  }
0x1db: {  	[tilespmem:s12+$0x60] =	vst v5  }
0x1dc: {  	v5 =	vld [tilespmem:s11+$0x70];
	_ =	sdelay $0x2  }
0x1dd: {  	s31 =	simm.s32 $0xF0  }
0x1de: {  	v6 =	vor.u32 s31, v1  }
0x1df: {  	vm14 =	vle.s32 v6, v4;
	vm13 =	veq.s32 v5, v3  }
0x1e0: {  	vm15 =	vlt.s32 v5, v3;
	vm0 =	vmand vm14, vm13  }
0x1e1: {  	vm0 =	vmor vm15, vm0  }
0x1e2: {  	s13 =	simm.s32 $0x1F0;
	v5 =	vsel vm0, $0x0, v2  }
.LBB2_15:
0x1e3: {  	p0 =	sne.s32 s13, $0xFF0;
	[tilespmem:s12+$0x70] =	vst v5;
	s12 =	sadd.s32 $0x100, s12;
	s11 =	sadd.s32 $0x100, s11  }
0x1e4: {  	s14 =	smov.u32 s13;
	s13 =	sadd.s32 $0x100, s13;
	v5 =	vld [tilespmem:s11+$0xFFFFFF80];
	_ =	sdelay $0x2  }
0x1e5: {  	s15 =	sadd.s32 $0xFFFFFF10, s14  }
0x1e6: {  	v6 =	vor.u32 s15, v1  }
0x1e7: {  	vm1 =	vle.s32 v6, v4;
	vm0 =	veq.s32 v5, v3  }
0x1e8: {  	vm2 =	vlt.s32 v5, v3;
	vm0 =	vmand vm1, vm0  }
0x1e9: {  	vm0 =	vmor vm2, vm0  }
0x1ea: {  	v5 =	vsel vm0, $0x0, v2  }
0x1eb: {  	[tilespmem:s12+$0xFFFFFF80] =	vst v5  }
0x1ec: {  	v5 =	vld [tilespmem:s11+$0xFFFFFF90];
	_ =	sdelay $0x2  }
0x1ed: {  	s15 =	sadd.s32 $0xFFFFFF20, s14  }
0x1ee: {  	v6 =	vor.u32 s15, v1  }
0x1ef: {  	vm1 =	vle.s32 v6, v4;
	vm0 =	veq.s32 v5, v3  }
0x1f0: {  	vm2 =	vlt.s32 v5, v3;
	vm0 =	vmand vm1, vm0  }
0x1f1: {  	vm0 =	vmor vm2, vm0  }
0x1f2: {  	v5 =	vsel vm0, $0x0, v2  }
0x1f3: {  	[tilespmem:s12+$0xFFFFFF90] =	vst v5  }
0x1f4: {  	v5 =	vld [tilespmem:s11+$0xFFFFFFA0];
	_ =	sdelay $0x2  }
0x1f5: {  	s15 =	sadd.s32 $0xFFFFFF30, s14  }
0x1f6: {  	v6 =	vor.u32 s15, v1  }
0x1f7: {  	vm1 =	vle.s32 v6, v4;
	vm0 =	veq.s32 v5, v3  }
0x1f8: {  	vm2 =	vlt.s32 v5, v3;
	vm0 =	vmand vm1, vm0  }
0x1f9: {  	vm0 =	vmor vm2, vm0  }
0x1fa: {  	v5 =	vsel vm0, $0x0, v2  }
0x1fb: {  	[tilespmem:s12+$0xFFFFFFA0] =	vst v5  }
0x1fc: {  	v5 =	vld [tilespmem:s11+$0xFFFFFFB0];
	_ =	sdelay $0x2  }
0x1fd: {  	s15 =	sadd.s32 $0xFFFFFF40, s14  }
0x1fe: {  	v6 =	vor.u32 s15, v1  }
0x1ff: {  	vm1 =	vle.s32 v6, v4;
	vm0 =	veq.s32 v5, v3  }
0x200: {  	vm2 =	vlt.s32 v5, v3;
	vm0 =	vmand vm1, vm0  }
0x201: {  	vm0 =	vmor vm2, vm0  }
0x202: {  	v5 =	vsel vm0, $0x0, v2  }
0x203: {  	[tilespmem:s12+$0xFFFFFFB0] =	vst v5  }
0x204: {  	v5 =	vld [tilespmem:s11+$0xFFFFFFC0];
	_ =	sdelay $0x2  }
0x205: {  	s15 =	sadd.s32 $0xFFFFFF50, s14  }
0x206: {  	v6 =	vor.u32 s15, v1  }
0x207: {  	vm1 =	vle.s32 v6, v4;
	vm0 =	veq.s32 v5, v3  }
0x208: {  	vm2 =	vlt.s32 v5, v3;
	vm0 =	vmand vm1, vm0  }
0x209: {  	vm0 =	vmor vm2, vm0  }
0x20a: {  	v5 =	vsel vm0, $0x0, v2  }
0x20b: {  	[tilespmem:s12+$0xFFFFFFC0] =	vst v5  }
0x20c: {  	v5 =	vld [tilespmem:s11+$0xFFFFFFD0];
	_ =	sdelay $0x2  }
0x20d: {  	s15 =	sadd.s32 $0xFFFFFF60, s14  }
0x20e: {  	v6 =	vor.u32 s15, v1  }
0x20f: {  	vm1 =	vle.s32 v6, v4;
	vm0 =	veq.s32 v5, v3  }
0x210: {  	vm2 =	vlt.s32 v5, v3;
	vm0 =	vmand vm1, vm0  }
0x211: {  	vm0 =	vmor vm2, vm0  }
0x212: {  	v5 =	vsel vm0, $0x0, v2  }
0x213: {  	[tilespmem:s12+$0xFFFFFFD0] =	vst v5  }
0x214: {  	v5 =	vld [tilespmem:s11+$0xFFFFFFE0];
	_ =	sdelay $0x2  }
0x215: {  	s15 =	sadd.s32 $0xFFFFFF70, s14  }
0x216: {  	v6 =	vor.u32 s15, v1  }
0x217: {  	vm1 =	vle.s32 v6, v4;
	vm0 =	veq.s32 v5, v3  }
0x218: {  	vm2 =	vlt.s32 v5, v3;
	vm0 =	vmand vm1, vm0  }
0x219: {  	vm0 =	vmor vm2, vm0  }
0x21a: {  	v5 =	vsel vm0, $0x0, v2  }
0x21b: {  	[tilespmem:s12+$0xFFFFFFE0] =	vst v5  }
0x21c: {  	v5 =	vld [tilespmem:s11+$0xFFFFFFF0];
	_ =	sdelay $0x2  }
0x21d: {  	s15 =	sadd.s32 $0xFFFFFF80, s14  }
0x21e: {  	v6 =	vor.u32 s15, v1  }
0x21f: {  	vm1 =	vle.s32 v6, v4;
	vm0 =	veq.s32 v5, v3  }
0x220: {  	vm2 =	vlt.s32 v5, v3;
	vm0 =	vmand vm1, vm0  }
0x221: {  	vm0 =	vmor vm2, vm0  }
0x222: {  	v5 =	vsel vm0, $0x0, v2  }
0x223: {  	[tilespmem:s12+$0xFFFFFFF0] =	vst v5  }
0x224: {  	v5 =	vld [tilespmem:s11+$0x0];
	_ =	sdelay $0x2  }
0x225: {  	s15 =	sadd.s32 $0xFFFFFF90, s14  }
0x226: {  	v6 =	vor.u32 s15, v1  }
0x227: {  	vm1 =	vle.s32 v6, v4;
	vm0 =	veq.s32 v5, v3  }
0x228: {  	vm2 =	vlt.s32 v5, v3;
	vm0 =	vmand vm1, vm0  }
0x229: {  	vm0 =	vmor vm2, vm0  }
0x22a: {  	v5 =	vsel vm0, $0x0, v2  }
0x22b: {  	[tilespmem:s12+$0x0] =	vst v5  }
0x22c: {  	v5 =	vld [tilespmem:s11+$0x10];
	_ =	sdelay $0x2  }
0x22d: {  	s15 =	sadd.s32 $0xFFFFFFA0, s14  }
0x22e: {  	v6 =	vor.u32 s15, v1  }
0x22f: {  	vm1 =	vle.s32 v6, v4;
	vm0 =	veq.s32 v5, v3  }
0x230: {  	vm2 =	vlt.s32 v5, v3;
	vm0 =	vmand vm1, vm0  }
0x231: {  	vm0 =	vmor vm2, vm0  }
0x232: {  	v5 =	vsel vm0, $0x0, v2  }
0x233: {  	[tilespmem:s12+$0x10] =	vst v5  }
0x234: {  	v5 =	vld [tilespmem:s11+$0x20];
	_ =	sdelay $0x2  }
0x235: {  	s15 =	sadd.s32 $0xFFFFFFB0, s14  }
0x236: {  	v6 =	vor.u32 s15, v1  }
0x237: {  	vm1 =	vle.s32 v6, v4;
	vm0 =	veq.s32 v5, v3  }
0x238: {  	vm2 =	vlt.s32 v5, v3;
	vm0 =	vmand vm1, vm0  }
0x239: {  	vm0 =	vmor vm2, vm0  }
0x23a: {  	v5 =	vsel vm0, $0x0, v2  }
0x23b: {  	[tilespmem:s12+$0x20] =	vst v5  }
0x23c: {  	v5 =	vld [tilespmem:s11+$0x30];
	_ =	sdelay $0x2  }
0x23d: {  	s15 =	sadd.s32 $0xFFFFFFC0, s14  }
0x23e: {  	v6 =	vor.u32 s15, v1  }
0x23f: {  	vm1 =	vle.s32 v6, v4;
	vm0 =	veq.s32 v5, v3  }
0x240: {  	vm2 =	vlt.s32 v5, v3;
	vm0 =	vmand vm1, vm0  }
0x241: {  	vm0 =	vmor vm2, vm0  }
0x242: {  	v5 =	vsel vm0, $0x0, v2  }
0x243: {  	[tilespmem:s12+$0x30] =	vst v5  }
0x244: {  	v5 =	vld [tilespmem:s11+$0x40];
	_ =	sdelay $0x2  }
0x245: {  	s15 =	sadd.s32 $0xFFFFFFD0, s14  }
0x246: {  	v6 =	vor.u32 s15, v1  }
0x247: {  	vm1 =	vle.s32 v6, v4;
	vm0 =	veq.s32 v5, v3  }
0x248: {  	vm2 =	vlt.s32 v5, v3;
	vm0 =	vmand vm1, vm0  }
0x249: {  	vm0 =	vmor vm2, vm0  }
0x24a: {  	v5 =	vsel vm0, $0x0, v2  }
0x24b: {  	[tilespmem:s12+$0x40] =	vst v5  }
0x24c: {  	v5 =	vld [tilespmem:s11+$0x50];
	_ =	sdelay $0x2  }
0x24d: {  	s15 =	sadd.s32 $0xFFFFFFE0, s14  }
0x24e: {  	v6 =	vor.u32 s15, v1  }
0x24f: {  	vm1 =	vle.s32 v6, v4;
	vm0 =	veq.s32 v5, v3  }
0x250: {  	vm2 =	vlt.s32 v5, v3;
	vm0 =	vmand vm1, vm0  }
0x251: {  	vm0 =	vmor vm2, vm0  }
0x252: {  	v5 =	vsel vm0, $0x0, v2  }
0x253: {  	[tilespmem:s12+$0x50] =	vst v5  }
0x254: {  	v5 =	vld [tilespmem:s11+$0x60];
	_ =	sdelay $0x2  }
0x255: {  	s15 =	sadd.s32 $0xFFFFFFF0, s14  }
0x256: {  	v6 =	vor.u32 s15, v1  }
0x257: {  	vm1 =	vle.s32 v6, v4;
	vm0 =	veq.s32 v5, v3  }
0x258: {  	vm2 =	vlt.s32 v5, v3;
	vm0 =	vmand vm1, vm0  }
0x259: {  	vm0 =	vmor vm2, vm0  }
0x25a: {  	v5 =	vsel vm0, $0x0, v2  }
0x25b: {  	[tilespmem:s12+$0x60] =	vst v5  }
0x25c: {  	v5 =	vld [tilespmem:s11+$0x70];
	_ =	sdelay $0x3  }
.Ltmp8:
0x25d: {  	v6 =	vor.u32 s14, v1;
	(pc) =	sbr.rel @p0 .LBB2_15-.Ltmp8, $4  }
0x25e: {  	vm1 =	vle.s32 v6, v4;
	vm0 =	veq.s32 v5, v3  }
0x25f: {  	vm2 =	vlt.s32 v5, v3;
	vm0 =	vmand vm1, vm0  }
0x260: {  	vm0 =	vmor vm2, vm0  }
0x261: {  	v5 =	vsel vm0, $0x0, v2  }
0x262: {  	s10 =	sadd.s32 $0x1, s10  }
0x263: {  	p0 =	sne.s32 s10, s5  }
.Ltmp9:
0x264: {  	[tilespmem:s12+$0x70] =	vst v5;
	(pc) =	sbr.rel @p0 .LBB2_2-.Ltmp9, $4  }
0x265: {  	[hbm4b:s3+s2] =	stream.linear.scatter [tilespmem:s9], [sflag:$0x1], $0x1000, $0x38;
	[tilespmem:$0x2000] =	vst v63  }
0x266: {  	_ =	swait.ge [sflag:s8], $0x1000  }
0x267: {  	[sflag:s8] =	ssyncset.done $0x0  }
0x268: {  	[sflag:s8] =	ssyncadd.s32 $0xFFFFF000  }
.LBB2_17:
0x269: {  	_ =	sfence.sel $0x180000  }
0x26a: {  	[bflag:$0x0] =	sbarrier.arrive $0xFFFF  }
0x26b: {  	p0 =	sne.s32 s1, $0x0;
	_ =	strace $0x90000047  }
0x26c: {  	s0 =	sadd.s32 @!p0 $0x100000, s0;
	[bflag:$0x2] =	sbarrier.arrive $0xFFFF  }
0x26d: {  	[sflag:s0] =	ssyncadd.tile.s32 @!p0 $0x1;
	_ =	shalt  }
.Lfunc_end2:
_tile_overlayer_lowered:
.L_overlay_start_2:
0x26e: {  	(tag) =	ssettag $0x2  }
0x26f: {  	s0 =	rddreg [dreg:$0x0];
	s2 =	stileid.u32  }
0x270: {  	s1 =	rddreg [dreg:$0x1];
	p0 =	sne.s32 s2, $0x0  }
0x271: {  	s3 =	rddreg [dreg:$0x2];
	[bflag:$0x3] =	sbarrier.arrive $0xFFFF;
	s2 =	simm.s32 @!p0 $0x1C01  }
0x272: {  	[timem:s3], [sflag:s2] =	dma.local @!p0 [hbm:s0], s1  }
0x273: {  	s0 =	simm.s32 @!p0 $0x1  }
0x274: {  	_ =	swait.ge @!p0 [sflag:s0], s1  }
0x275: {  	s1 =	ssub.s32 @!p0 $0x0, s1;
	[sflag:s0] =	ssyncset.done @!p0 $0x0  }
0x276: {  	[sflag:s0] =	ssyncadd.s32 @!p0 s1  }
0x277: {  	[bflag:$0x3] =	sbarrier.arrive $0xFFFF  }
0x278: {  	_ =	shalt  }

</sc_bundles>
